<compile_context>
chip_gen: v7x
topology: tpu7x:2x2x1
jax: 0.10.2.dev20260603
libtpu: 0.0.44.dev20260713+nightly
codegen_flags: <defaults>
</compile_context>

<pallas_src>
import functools

import jax
import jax.numpy as jnp
from jax import lax
from jax.experimental import pallas as pl
from jax.experimental.pallas import tpu as pltpu
from jax.experimental.pallas import tpu_sc as plsc

_B = 576
_NW = 32


def _cumsum_lanes(a, n):
    sh = 1
    while sh < n:
        z = jnp.zeros(a.shape[:1] + (sh,), a.dtype)
        a = a + jnp.concatenate([z, a[:, :-sh]], axis=1)
        sh *= 2
    return a


def _cumsum_subl(a, n):
    sh = 1
    while sh < n:
        z = jnp.zeros((sh,) + a.shape[1:], a.dtype)
        a = a + jnp.concatenate([z, a[:-sh, :]], axis=0)
        sh *= 2
    return a


def _router_body(x_ref, rw_ref, slots_ref, wnT_ref, be_ref, xpk_ref, *, T, E, NB):
    x = x_ref[...]
    Dh = x.shape[1] // 2
    u = lax.bitcast_convert_type(x, jnp.uint32)
    r = (u + jnp.uint32(0x7FFF) + ((u >> 16) & jnp.uint32(1))) >> 16
    xpk_ref[...] = lax.bitcast_convert_type(
        r[:, :Dh] | (r[:, Dh:] << 16), jnp.int32)
    logits = jnp.dot(x, rw_ref[...].T, preferred_element_type=jnp.float32)
    pT = jax.nn.softmax(logits, axis=-1).T
    eiota = lax.broadcasted_iota(jnp.int32, (E, T), 0)
    m1 = jnp.max(pT, axis=0, keepdims=True)
    i1 = jnp.min(jnp.where(pT == m1, eiota, E), axis=0, keepdims=True)
    pm = jnp.where(eiota == i1, -jnp.inf, pT)
    m2 = jnp.max(pm, axis=0, keepdims=True)
    i2 = jnp.min(jnp.where(pm == m2, eiota, E), axis=0, keepdims=True)
    denom = m1 + m2
    wnT_ref[...] = jnp.concatenate([m1 / denom, m2 / denom], axis=0)

    sel = ((eiota == i1) | (eiota == i2)).astype(jnp.int32)
    csum = _cumsum_lanes(sel, T)
    cnt = csum[:, T - 1 : T]
    nblk = (cnt + (_B - 1)) // _B
    blk_incl = _cumsum_subl(nblk, E)
    base = _B * (blk_incl - nblk)
    v = base + csum - sel
    slot1 = jnp.sum(jnp.where(eiota == i1, v, 0), axis=0, keepdims=True)
    slot2 = jnp.sum(jnp.where(eiota == i2, v, 0), axis=0, keepdims=True)
    slots_ref[...] = jnp.concatenate([slot1, slot2], axis=0)

    biota = lax.broadcasted_iota(jnp.int32, (E, 128), 1)
    be = jnp.sum((biota >= blk_incl).astype(jnp.int32), axis=0, keepdims=True)
    be = jnp.minimum(be, E - 1)
    liota = lax.broadcasted_iota(jnp.int32, (1, 128), 1)
    be_ref[...] = jnp.where(liota == 127, blk_incl[E - 1 : E, :], be)


def _gmm_body(be_ref, xs_ref, w1_ref, w2_ref, bias_ref, ys_ref, *, H):
    b = pl.program_id(0)

    @pl.when(b < be_ref[127])
    def _live():
        p = lax.bitcast_convert_type(xs_ref[...], jnp.uint32)
        left = lax.bitcast_convert_type(p << 16, jnp.float32)
        right = lax.bitcast_convert_type(
            p & jnp.uint32(0xFFFF0000), jnp.float32)
        xb = jnp.concatenate([left, right], axis=1)
        h = jnp.dot(xb, w1_ref[0].T, preferred_element_type=jnp.float32)
        g = h[:, :H]
        u = h[:, H:]
        act = g * jax.nn.sigmoid(g) * u
        y = jnp.dot(act, w2_ref[0].T, preferred_element_type=jnp.float32)
        y = y + bias_ref[...][None, :]
        Dh = y.shape[1] // 2
        uy = lax.bitcast_convert_type(y, jnp.uint32)
        r = (uy + jnp.uint32(0x7FFF) + ((uy >> 16) & jnp.uint32(1))) >> 16
        ys_ref[...] = lax.bitcast_convert_type(
            r[:, :Dh] | (r[:, Dh:] << 16), jnp.int32)


def _unpack_bf16_pairs(p_i32):
    p = lax.bitcast_convert_type(p_i32, jnp.uint32)
    left = lax.bitcast_convert_type(p << 16, jnp.float32)
    right = lax.bitcast_convert_type(p & jnp.uint32(0xFFFF0000), jnp.float32)
    return jnp.concatenate([left, right], axis=-1)


def _combine_body(yk_ref, wnT_ref, out_ref):
    a = _unpack_bf16_pairs(yk_ref[0])
    b = _unpack_bf16_pairs(yk_ref[1])
    w1c = wnT_ref[0, :][:, None]
    w2c = wnT_ref[1, :][:, None]
    out_ref[...] = w1c * a + w2c * b


@jax.jit
def kernel(x, w1, w2, router_w, bias):
    T, D = x.shape
    E, H2, _ = w1.shape
    H = H2 // 2
    K = 2
    NB = (T * K + E * (_B - 1)) // _B
    S = NB * _B
    TPW = T // _NW

    D2 = D // 2
    slots, wnT, be, xpk = pl.pallas_call(
        functools.partial(_router_body, T=T, E=E, NB=NB),
        out_shape=(
            jax.ShapeDtypeStruct((K, T), jnp.int32),
            jax.ShapeDtypeStruct((K, T), jnp.float32),
            jax.ShapeDtypeStruct((1, 128), jnp.int32),
            jax.ShapeDtypeStruct((T, D2), jnp.int32),
        ),
        in_specs=[
            pl.BlockSpec((T, D), lambda: (0, 0)),
            pl.BlockSpec((E, D), lambda: (0, 0)),
        ],
        out_specs=(
            pl.BlockSpec((K, T), lambda: (0, 0)),
            pl.BlockSpec((K, T), lambda: (0, 0)),
            pl.BlockSpec((1, 128), lambda: (0, 0)),
            pl.BlockSpec((T, D2), lambda: (0, 0)),
        ),
    )(x, router_w)

    mesh = plsc.VectorSubcoreMesh(core_axis_name="c", subcore_axis_name="s")

    @functools.partial(
        pl.kernel,
        mesh=mesh,
        out_type=jax.ShapeDtypeStruct((S, D2), jnp.int32),
        scratch_types=[
            pltpu.VMEM((TPW,), jnp.int32),
            pltpu.VMEM((TPW,), jnp.int32),
            pltpu.VMEM((TPW, D2), jnp.int32),
            pltpu.SemaphoreType.DMA,
            pltpu.SemaphoreType.DMA,
        ],
    )
    def _dispatch(xb_hbm, slots_hbm, xs_hbm, idx1_v, idx2_v, xbuf, sem1, sem2):
        wid = lax.axis_index("s") * 2 + lax.axis_index("c")
        base = wid * TPW
        pltpu.sync_copy(slots_hbm.at[0, pl.ds(base, TPW)], idx1_v)
        pltpu.sync_copy(slots_hbm.at[1, pl.ds(base, TPW)], idx2_v)
        pltpu.sync_copy(xb_hbm.at[pl.ds(base, TPW)], xbuf)
        c1 = pltpu.async_copy(xbuf, xs_hbm.at[idx1_v], sem1)
        c2 = pltpu.async_copy(xbuf, xs_hbm.at[idx2_v], sem2)
        c1.wait()
        c2.wait()

    xs = _dispatch(xpk, slots)

    grid_spec = pltpu.PrefetchScalarGridSpec(
        num_scalar_prefetch=1,
        grid=(NB,),
        in_specs=[
            pl.BlockSpec(
                (_B, D // 2),
                lambda b, be_s: (jnp.minimum(b, be_s[127] - 1), 0)),
            pl.BlockSpec(
                (1, H2, D),
                lambda b, be_s: (be_s[jnp.minimum(b, be_s[127] - 1)], 0, 0)),
            pl.BlockSpec(
                (1, D, H),
                lambda b, be_s: (be_s[jnp.minimum(b, be_s[127] - 1)], 0, 0)),
            pl.BlockSpec((D,), lambda b, be_s: (0,)),
        ],
        out_specs=pl.BlockSpec(
            (_B, D // 2),
            lambda b, be_s: (jnp.where(b < be_s[127], b, NB - 1), 0)),
    )
    ys = pl.pallas_call(
        functools.partial(_gmm_body, H=H),
        grid_spec=grid_spec,
        out_shape=jax.ShapeDtypeStruct((S, D2), jnp.int32),
        compiler_params=pltpu.CompilerParams(
            dimension_semantics=("arbitrary",),
        ),
    )(be.reshape(128), xs, w1, w2, bias)

    @functools.partial(
        pl.kernel,
        mesh=mesh,
        out_type=jax.ShapeDtypeStruct((K, T, D2), jnp.int32),
        scratch_types=[
            pltpu.VMEM((TPW,), jnp.int32),
            pltpu.VMEM((TPW,), jnp.int32),
            pltpu.VMEM((TPW, D2), jnp.int32),
            pltpu.VMEM((TPW, D2), jnp.int32),
            pltpu.SemaphoreType.DMA,
            pltpu.SemaphoreType.DMA,
        ],
    )
    def _unperm(ys_hbm, slots_hbm, yk_hbm, idx1_v, idx2_v, buf1, buf2, sem1, sem2):
        wid = lax.axis_index("s") * 2 + lax.axis_index("c")
        base = wid * TPW
        pltpu.sync_copy(slots_hbm.at[0, pl.ds(base, TPW)], idx1_v)
        pltpu.sync_copy(slots_hbm.at[1, pl.ds(base, TPW)], idx2_v)
        c1 = pltpu.async_copy(ys_hbm.at[idx1_v], buf1, sem1)
        c2 = pltpu.async_copy(ys_hbm.at[idx2_v], buf2, sem2)
        c1.wait()
        pltpu.sync_copy(buf1, yk_hbm.at[0, pl.ds(base, TPW)])
        c2.wait()
        pltpu.sync_copy(buf2, yk_hbm.at[1, pl.ds(base, TPW)])

    yk = _unperm(ys, slots)

    BT = 256
    out = pl.pallas_call(
        _combine_body,
        grid=(T // BT,),
        out_shape=jax.ShapeDtypeStruct((T, D), jnp.float32),
        in_specs=[
            pl.BlockSpec((K, BT, D2), lambda t: (0, t, 0)),
            pl.BlockSpec((K, BT), lambda t: (0, t)),
        ],
        out_specs=pl.BlockSpec((BT, D), lambda t: (t, 0)),
    )(yk, wnT)
    return out

# --- scband reference (transcript-rebuilt; emitter-appended) ---
"""Pipeline reference for scband-mo-e-66314295050380 (READ-ONLY COPY).

The authoritative reference and input builder live on the scoring server;
editing this copy changes nothing except your own understanding.
"""

import jax, jax.numpy as jnp
import numpy as np

E = 8
D = 768
H = 1024
K = 2
T = 2048


def setup_inputs(seed: int = 0) -> dict:
    key = jax.random.key(seed)
    ks = jax.random.split(key, 5)
    x = jax.random.normal(ks[0], (T, D), dtype=jnp.float32)
    # input_linear: ParallelExperts(E, D, 2*H) since glu=True -> weight [E, 2H, D]
    w1 = jax.random.uniform(ks[1], (E, 2 * H, D), dtype=jnp.float32, minval=-1.0 / (2 * H), maxval=1.0 / (2 * H))
    # output_linear: ParallelExperts(E, H, D) -> weight [E, D, H]
    w2 = jax.random.uniform(ks[2], (E, D, H), dtype=jnp.float32, minval=-1.0 / D, maxval=1.0 / D)
    # router: nn.Linear(D, E, bias=False) -> weight [E, D]
    router_w = jax.random.normal(ks[3], (E, D), dtype=jnp.float32) * 0.02
    bias = jnp.zeros((D,), dtype=jnp.float32)
    return {"x": x, "w1": w1, "w2": w2, "router_w": router_w, "bias": bias}


def reference(x, w1, w2, router_w, bias):
    # router logits
    logits = x @ router_w.T  # [T, E]
    # fused_moe semantics: softmax over experts, top-k, renormalize=True
    probs = jax.nn.softmax(logits.astype(jnp.float32), axis=-1)
    topk_w, topk_ids = jax.lax.top_k(probs, K)  # [T, K]
    topk_w = topk_w / jnp.sum(topk_w, axis=-1, keepdims=True)
    Tn = x.shape[0]
    En = w1.shape[0]
    # scatter top-k weights into dense per-token combine coefficients [T, E]
    coef = jnp.zeros((Tn, En), dtype=x.dtype).at[jnp.arange(Tn)[:, None], topk_ids].add(topk_w.astype(x.dtype))
    out = jnp.zeros_like(x)
    for e in range(En):
        h = x @ w1[e].T  # [T, 2H]
        g = h[:, :H]
        u = h[:, H:]
        act = jax.nn.silu(g) * u  # silu_and_mul (glu)
        y = act @ w2[e].T  # [T, D]
        out = out + coef[:, e:e + 1] * y
    # MoE bias
    out = out + bias
    return out

if __name__ == "__main__":
    import jax
    _d = setup_inputs()
    print(jax.jit(kernel)(*tuple(_d.values())))

</pallas_src>

<mosaic_0001>
#map = affine_map<(d0, d1) -> (0, 0)>
#map1 = affine_map<(d0, d1) -> (0, 0, 0)>
module attributes {stable_mosaic.version = 14 : i64} {
  func.func @_unperm(%arg0: i32, %arg1: i32, %arg2: memref<8640x384xi32, #tpu.memory_space<hbm>>, %arg3: memref<2x2048xi32, #tpu.memory_space<hbm>>, %arg4: memref<2x2048x384xi32, #tpu.memory_space<hbm>>, %arg5: memref<64xi32, #tpu.memory_space<vmem>>, %arg6: memref<64xi32, #tpu.memory_space<vmem>>, %arg7: memref<64x384xi32, #tpu.memory_space<vmem>>, %arg8: memref<64x384xi32, #tpu.memory_space<vmem>>, %arg9: memref<!tpu.dma_semaphore, #tpu.memory_space<semaphore_mem>>, %arg10: memref<!tpu.dma_semaphore, #tpu.memory_space<semaphore_mem>>) attributes {dimension_semantics = [#tpu.dimension_semantics<core_parallel>, #tpu.dimension_semantics<subcore_parallel>], iteration_bounds = array<i64: 2, 16>, scalar_prefetch = 0 : i64, scratch_operands = 6 : i64, tpu.core_type = #tpu.core_type<sc_vector_subcore>, window_params = [{transform_indices = #map}, {transform_indices = #map}, {transform_indices = #map1}]} {
    %mul3A = arith.constant 2 : i32
    %mul3A_0 = arith.muli %arg1, %mul3A : i32
    %add3A = arith.addi %mul3A_0, %arg0 : i32
    %mul3A_1 = arith.constant 64 : i32
    %mul3A_2 = arith.muli %add3A, %mul3A_1 : i32
    %run_scoped3A = arith.constant 0 : i32
    "tpu.region"() ({
      %run_scoped3A_16 = tpu.sem_alloc : memref<!tpu.dma_semaphore, #tpu.memory_space<semaphore_mem>>
      %dma_start3A_17 = tpu.memref_slice %arg3[%run_scoped3A, %mul3A_2] : memref<2x2048xi32, #tpu.memory_space<hbm>> -> memref<1x64xi32, #tpu.memory_space<hbm>>
      %dma_start3A_18 = tpu.memref_squeeze %dma_start3A_17 : memref<1x64xi32, #tpu.memory_space<hbm>> -> memref<64xi32, #tpu.memory_space<hbm>>
      %dma_start3A_19 = tpu.memref_slice %arg3[%run_scoped3A, %mul3A_2] : memref<2x2048xi32, #tpu.memory_space<hbm>> -> memref<1x64xi32, #tpu.memory_space<hbm>>
      %dma_start3A_20 = tpu.memref_squeeze %dma_start3A_19 : memref<1x64xi32, #tpu.memory_space<hbm>> -> memref<64xi32, #tpu.memory_space<hbm>>
      tpu.enqueue_dma source(%dma_start3A_20 : memref<64xi32, #tpu.memory_space<hbm>>) target(%arg5 : memref<64xi32, #tpu.memory_space<vmem>>) target_semaphore(%run_scoped3A_16 : memref<!tpu.dma_semaphore, #tpu.memory_space<semaphore_mem>>)
      %dma_wait3A_21 = tpu.memref_slice %arg3[%run_scoped3A, %mul3A_2] : memref<2x2048xi32, #tpu.memory_space<hbm>> -> memref<1x64xi32, #tpu.memory_space<hbm>>
      %dma_wait3A_22 = tpu.memref_squeeze %dma_wait3A_21 : memref<1x64xi32, #tpu.memory_space<hbm>> -> memref<64xi32, #tpu.memory_space<hbm>>
      %dma_wait3A_23 = tpu.memref_slice %arg3[%run_scoped3A, %mul3A_2] : memref<2x2048xi32, #tpu.memory_space<hbm>> -> memref<1x64xi32, #tpu.memory_space<hbm>>
      %dma_wait3A_24 = tpu.memref_squeeze %dma_wait3A_23 : memref<1x64xi32, #tpu.memory_space<hbm>> -> memref<64xi32, #tpu.memory_space<hbm>>
      tpu.wait_dma2 semaphore(%run_scoped3A_16 : memref<!tpu.dma_semaphore, #tpu.memory_space<semaphore_mem>>) src(%dma_wait3A_24 : memref<64xi32, #tpu.memory_space<hbm>>) dst(%arg5 : memref<64xi32, #tpu.memory_space<vmem>>)
      tpu.yield
    }) : () -> ()
    %run_scoped3A_3 = arith.constant 1 : i32
    "tpu.region"() ({
      %run_scoped3A_16 = tpu.sem_alloc : memref<!tpu.dma_semaphore, #tpu.memory_space<semaphore_mem>>
      %dma_start3A_17 = tpu.memref_slice %arg3[%run_scoped3A_3, %mul3A_2] : memref<2x2048xi32, #tpu.memory_space<hbm>> -> memref<1x64xi32, #tpu.memory_space<hbm>>
      %dma_start3A_18 = tpu.memref_squeeze %dma_start3A_17 : memref<1x64xi32, #tpu.memory_space<hbm>> -> memref<64xi32, #tpu.memory_space<hbm>>
      %dma_start3A_19 = tpu.memref_slice %arg3[%run_scoped3A_3, %mul3A_2] : memref<2x2048xi32, #tpu.memory_space<hbm>> -> memref<1x64xi32, #tpu.memory_space<hbm>>
      %dma_start3A_20 = tpu.memref_squeeze %dma_start3A_19 : memref<1x64xi32, #tpu.memory_space<hbm>> -> memref<64xi32, #tpu.memory_space<hbm>>
      tpu.enqueue_dma source(%dma_start3A_20 : memref<64xi32, #tpu.memory_space<hbm>>) target(%arg6 : memref<64xi32, #tpu.memory_space<vmem>>) target_semaphore(%run_scoped3A_16 : memref<!tpu.dma_semaphore, #tpu.memory_space<semaphore_mem>>)
      %dma_wait3A_21 = tpu.memref_slice %arg3[%run_scoped3A_3, %mul3A_2] : memref<2x2048xi32, #tpu.memory_space<hbm>> -> memref<1x64xi32, #tpu.memory_space<hbm>>
      %dma_wait3A_22 = tpu.memref_squeeze %dma_wait3A_21 : memref<1x64xi32, #tpu.memory_space<hbm>> -> memref<64xi32, #tpu.memory_space<hbm>>
      %dma_wait3A_23 = tpu.memref_slice %arg3[%run_scoped3A_3, %mul3A_2] : memref<2x2048xi32, #tpu.memory_space<hbm>> -> memref<1x64xi32, #tpu.memory_space<hbm>>
      %dma_wait3A_24 = tpu.memref_squeeze %dma_wait3A_23 : memref<1x64xi32, #tpu.memory_space<hbm>> -> memref<64xi32, #tpu.memory_space<hbm>>
      tpu.wait_dma2 semaphore(%run_scoped3A_16 : memref<!tpu.dma_semaphore, #tpu.memory_space<semaphore_mem>>) src(%dma_wait3A_24 : memref<64xi32, #tpu.memory_space<hbm>>) dst(%arg6 : memref<64xi32, #tpu.memory_space<vmem>>)
      tpu.yield
    }) : () -> ()
    %dma_start3A = arith.constant 0 : i32
    %dma_start3A_4 = arith.constant 0 : i32
    %dma_start3A_5 = tpu.memref_slice %arg2[%dma_start3A, %dma_start3A_4] : memref<8640x384xi32, #tpu.memory_space<hbm>> -> memref<8640x384xi32, #tpu.memory_space<hbm>>
    tpu.enqueue_indirect_dma source(%dma_start3A_5 : memref<8640x384xi32, #tpu.memory_space<hbm>>) target(%arg7 : memref<64x384xi32, #tpu.memory_space<vmem>>) offsets(%arg5 : memref<64xi32, #tpu.memory_space<vmem>>) semaphore(%arg9 : memref<!tpu.dma_semaphore, #tpu.memory_space<semaphore_mem>>)
    %dma_start3A_6 = arith.constant 0 : i32
    %dma_start3A_7 = arith.constant 0 : i32
    %dma_start3A_8 = tpu.memref_slice %arg2[%dma_start3A_6, %dma_start3A_7] : memref<8640x384xi32, #tpu.memory_space<hbm>> -> memref<8640x384xi32, #tpu.memory_space<hbm>>
    tpu.enqueue_indirect_dma source(%dma_start3A_8 : memref<8640x384xi32, #tpu.memory_space<hbm>>) target(%arg8 : memref<64x384xi32, #tpu.memory_space<vmem>>) offsets(%arg6 : memref<64xi32, #tpu.memory_space<vmem>>) semaphore(%arg10 : memref<!tpu.dma_semaphore, #tpu.memory_space<semaphore_mem>>)
    %dma_wait3A = arith.constant 0 : i32
    %dma_wait3A_9 = arith.constant 0 : i32
    %dma_wait3A_10 = tpu.memref_slice %arg2[%dma_wait3A, %dma_wait3A_9] : memref<8640x384xi32, #tpu.memory_space<hbm>> -> memref<8640x384xi32, #tpu.memory_space<hbm>>
    tpu.wait_indirect_dma semaphore(%arg9 : memref<!tpu.dma_semaphore, #tpu.memory_space<semaphore_mem>>) src(%dma_wait3A_10 : memref<8640x384xi32, #tpu.memory_space<hbm>>) dst(%arg7 : memref<64x384xi32, #tpu.memory_space<vmem>>)
    %run_scoped3A_11 = arith.constant 0 : i32
    "tpu.region"() ({
      %run_scoped3A_16 = tpu.sem_alloc : memref<!tpu.dma_semaphore, #tpu.memory_space<semaphore_mem>>
      %dma_start3A_17 = arith.constant 0 : i32
      %dma_start3A_18 = tpu.memref_slice %arg4[%run_scoped3A_11, %mul3A_2, %dma_start3A_17] : memref<2x2048x384xi32, #tpu.memory_space<hbm>> -> memref<1x64x384xi32, #tpu.memory_space<hbm>>
      %dma_start3A_19 = tpu.memref_squeeze %dma_start3A_18 : memref<1x64x384xi32, #tpu.memory_space<hbm>> -> memref<64x384xi32, #tpu.memory_space<hbm>>
      %dma_start3A_20 = arith.constant 0 : i32
      %dma_start3A_21 = tpu.memref_slice %arg4[%run_scoped3A_11, %mul3A_2, %dma_start3A_20] : memref<2x2048x384xi32, #tpu.memory_space<hbm>> -> memref<1x64x384xi32, #tpu.memory_space<hbm>>
      %dma_start3A_22 = tpu.memref_squeeze %dma_start3A_21 : memref<1x64x384xi32, #tpu.memory_space<hbm>> -> memref<64x384xi32, #tpu.memory_space<hbm>>
      tpu.enqueue_dma source(%arg7 : memref<64x384xi32, #tpu.memory_space<vmem>>) target(%dma_start3A_22 : memref<64x384xi32, #tpu.memory_space<hbm>>) target_semaphore(%run_scoped3A_16 : memref<!tpu.dma_semaphore, #tpu.memory_space<semaphore_mem>>)
      %dma_wait3A_23 = arith.constant 0 : i32
      %dma_wait3A_24 = tpu.memref_slice %arg4[%run_scoped3A_11, %mul3A_2, %dma_wait3A_23] : memref<2x2048x384xi32, #tpu.memory_space<hbm>> -> memref<1x64x384xi32, #tpu.memory_space<hbm>>
      %dma_wait3A_25 = tpu.memref_squeeze %dma_wait3A_24 : memref<1x64x384xi32, #tpu.memory_space<hbm>> -> memref<64x384xi32, #tpu.memory_space<hbm>>
      %dma_wait3A_26 = arith.constant 0 : i32
      %dma_wait3A_27 = tpu.memref_slice %arg4[%run_scoped3A_11, %mul3A_2, %dma_wait3A_26] : memref<2x2048x384xi32, #tpu.memory_space<hbm>> -> memref<1x64x384xi32, #tpu.memory_space<hbm>>
      %dma_wait3A_28 = tpu.memref_squeeze %dma_wait3A_27 : memref<1x64x384xi32, #tpu.memory_space<hbm>> -> memref<64x384xi32, #tpu.memory_space<hbm>>
      tpu.wait_dma2 semaphore(%run_scoped3A_16 : memref<!tpu.dma_semaphore, #tpu.memory_space<semaphore_mem>>) src(%arg7 : memref<64x384xi32, #tpu.memory_space<vmem>>) dst(%dma_wait3A_28 : memref<64x384xi32, #tpu.memory_space<hbm>>)
      tpu.yield
    }) : () -> ()
    %dma_wait3A_12 = arith.constant 0 : i32
    %dma_wait3A_13 = arith.constant 0 : i32
    %dma_wait3A_14 = tpu.memref_slice %arg2[%dma_wait3A_12, %dma_wait3A_13] : memref<8640x384xi32, #tpu.memory_space<hbm>> -> memref<8640x384xi32, #tpu.memory_space<hbm>>
    tpu.wait_indirect_dma semaphore(%arg10 : memref<!tpu.dma_semaphore, #tpu.memory_space<semaphore_mem>>) src(%dma_wait3A_14 : memref<8640x384xi32, #tpu.memory_space<hbm>>) dst(%arg8 : memref<64x384xi32, #tpu.memory_space<vmem>>)
    %run_scoped3A_15 = arith.constant 1 : i32
    "tpu.region"() ({
      %run_scoped3A_16 = tpu.sem_alloc : memref<!tpu.dma_semaphore, #tpu.memory_space<semaphore_mem>>
      %dma_start3A_17 = arith.constant 0 : i32
      %dma_start3A_18 = tpu.memref_slice %arg4[%run_scoped3A_15, %mul3A_2, %dma_start3A_17] : memref<2x2048x384xi32, #tpu.memory_space<hbm>> -> memref<1x64x384xi32, #tpu.memory_space<hbm>>
      %dma_start3A_19 = tpu.memref_squeeze %dma_start3A_18 : memref<1x64x384xi32, #tpu.memory_space<hbm>> -> memref<64x384xi32, #tpu.memory_space<hbm>>
      %dma_start3A_20 = arith.constant 0 : i32
      %dma_start3A_21 = tpu.memref_slice %arg4[%run_scoped3A_15, %mul3A_2, %dma_start3A_20] : memref<2x2048x384xi32, #tpu.memory_space<hbm>> -> memref<1x64x384xi32, #tpu.memory_space<hbm>>
      %dma_start3A_22 = tpu.memref_squeeze %dma_start3A_21 : memref<1x64x384xi32, #tpu.memory_space<hbm>> -> memref<64x384xi32, #tpu.memory_space<hbm>>
      tpu.enqueue_dma source(%arg8 : memref<64x384xi32, #tpu.memory_space<vmem>>) target(%dma_start3A_22 : memref<64x384xi32, #tpu.memory_space<hbm>>) target_semaphore(%run_scoped3A_16 : memref<!tpu.dma_semaphore, #tpu.memory_space<semaphore_mem>>)
      %dma_wait3A_23 = arith.constant 0 : i32
      %dma_wait3A_24 = tpu.memref_slice %arg4[%run_scoped3A_15, %mul3A_2, %dma_wait3A_23] : memref<2x2048x384xi32, #tpu.memory_space<hbm>> -> memref<1x64x384xi32, #tpu.memory_space<hbm>>
      %dma_wait3A_25 = tpu.memref_squeeze %dma_wait3A_24 : memref<1x64x384xi32, #tpu.memory_space<hbm>> -> memref<64x384xi32, #tpu.memory_space<hbm>>
      %dma_wait3A_26 = arith.constant 0 : i32
      %dma_wait3A_27 = tpu.memref_slice %arg4[%run_scoped3A_15, %mul3A_2, %dma_wait3A_26] : memref<2x2048x384xi32, #tpu.memory_space<hbm>> -> memref<1x64x384xi32, #tpu.memory_space<hbm>>
      %dma_wait3A_28 = tpu.memref_squeeze %dma_wait3A_27 : memref<1x64x384xi32, #tpu.memory_space<hbm>> -> memref<64x384xi32, #tpu.memory_space<hbm>>
      tpu.wait_dma2 semaphore(%run_scoped3A_16 : memref<!tpu.dma_semaphore, #tpu.memory_space<semaphore_mem>>) src(%arg8 : memref<64x384xi32, #tpu.memory_space<vmem>>) dst(%dma_wait3A_28 : memref<64x384xi32, #tpu.memory_space<hbm>>)
      tpu.yield
    }) : () -> ()
    return
  }
}

#map = affine_map<(d0, d1) -> (0, 0)>
module attributes {stable_mosaic.version = 14 : i64} {
  func.func @_dispatch(%arg0: i32, %arg1: i32, %arg2: memref<2048x384xi32, #tpu.memory_space<hbm>>, %arg3: memref<2x2048xi32, #tpu.memory_space<hbm>>, %arg4: memref<8640x384xi32, #tpu.memory_space<hbm>>, %arg5: memref<64xi32, #tpu.memory_space<vmem>>, %arg6: memref<64xi32, #tpu.memory_space<vmem>>, %arg7: memref<64x384xi32, #tpu.memory_space<vmem>>, %arg8: memref<!tpu.dma_semaphore, #tpu.memory_space<semaphore_mem>>, %arg9: memref<!tpu.dma_semaphore, #tpu.memory_space<semaphore_mem>>) attributes {dimension_semantics = [#tpu.dimension_semantics<core_parallel>, #tpu.dimension_semantics<subcore_parallel>], iteration_bounds = array<i64: 2, 16>, scalar_prefetch = 0 : i64, scratch_operands = 5 : i64, tpu.core_type = #tpu.core_type<sc_vector_subcore>, window_params = [{transform_indices = #map}, {transform_indices = #map}, {transform_indices = #map}]} {
    %mul3A = arith.constant 2 : i32
    %mul3A_0 = arith.muli %arg1, %mul3A : i32
    %add3A = arith.addi %mul3A_0, %arg0 : i32
    %mul3A_1 = arith.constant 64 : i32
    %mul3A_2 = arith.muli %add3A, %mul3A_1 : i32
    %run_scoped3A = arith.constant 0 : i32
    "tpu.region"() ({
      %run_scoped3A_14 = tpu.sem_alloc : memref<!tpu.dma_semaphore, #tpu.memory_space<semaphore_mem>>
      %dma_start3A_15 = tpu.memref_slice %arg3[%run_scoped3A, %mul3A_2] : memref<2x2048xi32, #tpu.memory_space<hbm>> -> memref<1x64xi32, #tpu.memory_space<hbm>>
      %dma_start3A_16 = tpu.memref_squeeze %dma_start3A_15 : memref<1x64xi32, #tpu.memory_space<hbm>> -> memref<64xi32, #tpu.memory_space<hbm>>
      %dma_start3A_17 = tpu.memref_slice %arg3[%run_scoped3A, %mul3A_2] : memref<2x2048xi32, #tpu.memory_space<hbm>> -> memref<1x64xi32, #tpu.memory_space<hbm>>
      %dma_start3A_18 = tpu.memref_squeeze %dma_start3A_17 : memref<1x64xi32, #tpu.memory_space<hbm>> -> memref<64xi32, #tpu.memory_space<hbm>>
      tpu.enqueue_dma source(%dma_start3A_18 : memref<64xi32, #tpu.memory_space<hbm>>) target(%arg5 : memref<64xi32, #tpu.memory_space<vmem>>) target_semaphore(%run_scoped3A_14 : memref<!tpu.dma_semaphore, #tpu.memory_space<semaphore_mem>>)
      %dma_wait3A_19 = tpu.memref_slice %arg3[%run_scoped3A, %mul3A_2] : memref<2x2048xi32, #tpu.memory_space<hbm>> -> memref<1x64xi32, #tpu.memory_space<hbm>>
      %dma_wait3A_20 = tpu.memref_squeeze %dma_wait3A_19 : memref<1x64xi32, #tpu.memory_space<hbm>> -> memref<64xi32, #tpu.memory_space<hbm>>
      %dma_wait3A_21 = tpu.memref_slice %arg3[%run_scoped3A, %mul3A_2] : memref<2x2048xi32, #tpu.memory_space<hbm>> -> memref<1x64xi32, #tpu.memory_space<hbm>>
      %dma_wait3A_22 = tpu.memref_squeeze %dma_wait3A_21 : memref<1x64xi32, #tpu.memory_space<hbm>> -> memref<64xi32, #tpu.memory_space<hbm>>
      tpu.wait_dma2 semaphore(%run_scoped3A_14 : memref<!tpu.dma_semaphore, #tpu.memory_space<semaphore_mem>>) src(%dma_wait3A_22 : memref<64xi32, #tpu.memory_space<hbm>>) dst(%arg5 : memref<64xi32, #tpu.memory_space<vmem>>)
      tpu.yield
    }) : () -> ()
    %run_scoped3A_3 = arith.constant 1 : i32
    "tpu.region"() ({
      %run_scoped3A_14 = tpu.sem_alloc : memref<!tpu.dma_semaphore, #tpu.memory_space<semaphore_mem>>
      %dma_start3A_15 = tpu.memref_slice %arg3[%run_scoped3A_3, %mul3A_2] : memref<2x2048xi32, #tpu.memory_space<hbm>> -> memref<1x64xi32, #tpu.memory_space<hbm>>
      %dma_start3A_16 = tpu.memref_squeeze %dma_start3A_15 : memref<1x64xi32, #tpu.memory_space<hbm>> -> memref<64xi32, #tpu.memory_space<hbm>>
      %dma_start3A_17 = tpu.memref_slice %arg3[%run_scoped3A_3, %mul3A_2] : memref<2x2048xi32, #tpu.memory_space<hbm>> -> memref<1x64xi32, #tpu.memory_space<hbm>>
      %dma_start3A_18 = tpu.memref_squeeze %dma_start3A_17 : memref<1x64xi32, #tpu.memory_space<hbm>> -> memref<64xi32, #tpu.memory_space<hbm>>
      tpu.enqueue_dma source(%dma_start3A_18 : memref<64xi32, #tpu.memory_space<hbm>>) target(%arg6 : memref<64xi32, #tpu.memory_space<vmem>>) target_semaphore(%run_scoped3A_14 : memref<!tpu.dma_semaphore, #tpu.memory_space<semaphore_mem>>)
      %dma_wait3A_19 = tpu.memref_slice %arg3[%run_scoped3A_3, %mul3A_2] : memref<2x2048xi32, #tpu.memory_space<hbm>> -> memref<1x64xi32, #tpu.memory_space<hbm>>
      %dma_wait3A_20 = tpu.memref_squeeze %dma_wait3A_19 : memref<1x64xi32, #tpu.memory_space<hbm>> -> memref<64xi32, #tpu.memory_space<hbm>>
      %dma_wait3A_21 = tpu.memref_slice %arg3[%run_scoped3A_3, %mul3A_2] : memref<2x2048xi32, #tpu.memory_space<hbm>> -> memref<1x64xi32, #tpu.memory_space<hbm>>
      %dma_wait3A_22 = tpu.memref_squeeze %dma_wait3A_21 : memref<1x64xi32, #tpu.memory_space<hbm>> -> memref<64xi32, #tpu.memory_space<hbm>>
      tpu.wait_dma2 semaphore(%run_scoped3A_14 : memref<!tpu.dma_semaphore, #tpu.memory_space<semaphore_mem>>) src(%dma_wait3A_22 : memref<64xi32, #tpu.memory_space<hbm>>) dst(%arg6 : memref<64xi32, #tpu.memory_space<vmem>>)
      tpu.yield
    }) : () -> ()
    "tpu.region"() ({
      %run_scoped3A_14 = tpu.sem_alloc : memref<!tpu.dma_semaphore, #tpu.memory_space<semaphore_mem>>
      %dma_start3A_15 = arith.constant 0 : i32
      %dma_start3A_16 = tpu.memref_slice %arg2[%mul3A_2, %dma_start3A_15] : memref<2048x384xi32, #tpu.memory_space<hbm>> -> memref<64x384xi32, #tpu.memory_space<hbm>>
      %dma_start3A_17 = arith.constant 0 : i32
      %dma_start3A_18 = tpu.memref_slice %arg2[%mul3A_2, %dma_start3A_17] : memref<2048x384xi32, #tpu.memory_space<hbm>> -> memref<64x384xi32, #tpu.memory_space<hbm>>
      tpu.enqueue_dma source(%dma_start3A_18 : memref<64x384xi32, #tpu.memory_space<hbm>>) target(%arg7 : memref<64x384xi32, #tpu.memory_space<vmem>>) target_semaphore(%run_scoped3A_14 : memref<!tpu.dma_semaphore, #tpu.memory_space<semaphore_mem>>)
      %dma_wait3A_19 = arith.constant 0 : i32
      %dma_wait3A_20 = tpu.memref_slice %arg2[%mul3A_2, %dma_wait3A_19] : memref<2048x384xi32, #tpu.memory_space<hbm>> -> memref<64x384xi32, #tpu.memory_space<hbm>>
      %dma_wait3A_21 = arith.constant 0 : i32
      %dma_wait3A_22 = tpu.memref_slice %arg2[%mul3A_2, %dma_wait3A_21] : memref<2048x384xi32, #tpu.memory_space<hbm>> -> memref<64x384xi32, #tpu.memory_space<hbm>>
      tpu.wait_dma2 semaphore(%run_scoped3A_14 : memref<!tpu.dma_semaphore, #tpu.memory_space<semaphore_mem>>) src(%dma_wait3A_22 : memref<64x384xi32, #tpu.memory_space<hbm>>) dst(%arg7 : memref<64x384xi32, #tpu.memory_space<vmem>>)
      tpu.yield
    }) : () -> ()
    %dma_start3A = arith.constant 0 : i32
    %dma_start3A_4 = arith.constant 0 : i32
    %dma_start3A_5 = tpu.memref_slice %arg4[%dma_start3A, %dma_start3A_4] : memref<8640x384xi32, #tpu.memory_space<hbm>> -> memref<8640x384xi32, #tpu.memory_space<hbm>>
    tpu.enqueue_indirect_dma source(%arg7 : memref<64x384xi32, #tpu.memory_space<vmem>>) target(%dma_start3A_5 : memref<8640x384xi32, #tpu.memory_space<hbm>>) offsets(%arg5 : memref<64xi32, #tpu.memory_space<vmem>>) semaphore(%arg8 : memref<!tpu.dma_semaphore, #tpu.memory_space<semaphore_mem>>)
    %dma_start3A_6 = arith.constant 0 : i32
    %dma_start3A_7 = arith.constant 0 : i32
    %dma_start3A_8 = tpu.memref_slice %arg4[%dma_start3A_6, %dma_start3A_7] : memref<8640x384xi32, #tpu.memory_space<hbm>> -> memref<8640x384xi32, #tpu.memory_space<hbm>>
    tpu.enqueue_indirect_dma source(%arg7 : memref<64x384xi32, #tpu.memory_space<vmem>>) target(%dma_start3A_8 : memref<8640x384xi32, #tpu.memory_space<hbm>>) offsets(%arg6 : memref<64xi32, #tpu.memory_space<vmem>>) semaphore(%arg9 : memref<!tpu.dma_semaphore, #tpu.memory_space<semaphore_mem>>)
    %dma_wait3A = arith.constant 0 : i32
    %dma_wait3A_9 = arith.constant 0 : i32
    %dma_wait3A_10 = tpu.memref_slice %arg4[%dma_wait3A, %dma_wait3A_9] : memref<8640x384xi32, #tpu.memory_space<hbm>> -> memref<8640x384xi32, #tpu.memory_space<hbm>>
    tpu.wait_indirect_dma semaphore(%arg8 : memref<!tpu.dma_semaphore, #tpu.memory_space<semaphore_mem>>) src(%arg7 : memref<64x384xi32, #tpu.memory_space<vmem>>) dst(%dma_wait3A_10 : memref<8640x384xi32, #tpu.memory_space<hbm>>)
    %dma_wait3A_11 = arith.constant 0 : i32
    %dma_wait3A_12 = arith.constant 0 : i32
    %dma_wait3A_13 = tpu.memref_slice %arg4[%dma_wait3A_11, %dma_wait3A_12] : memref<8640x384xi32, #tpu.memory_space<hbm>> -> memref<8640x384xi32, #tpu.memory_space<hbm>>
    tpu.wait_indirect_dma semaphore(%arg9 : memref<!tpu.dma_semaphore, #tpu.memory_space<semaphore_mem>>) src(%arg7 : memref<64x384xi32, #tpu.memory_space<vmem>>) dst(%dma_wait3A_13 : memref<8640x384xi32, #tpu.memory_space<hbm>>)
    return
  }
}

module attributes {stable_mosaic.version = 14 : i64} {
  func.func @_router_body(%arg0: memref<2048x768xf32, #tpu.memory_space<vmem>>, %arg1: memref<8x768xf32, #tpu.memory_space<vmem>>, %arg2: memref<2x2048xi32, #tpu.memory_space<vmem>>, %arg3: memref<2x2048xf32, #tpu.memory_space<vmem>>, %arg4: memref<1x128xi32, #tpu.memory_space<vmem>>, %arg5: memref<2048x384xi32, #tpu.memory_space<vmem>>) attributes {dimension_semantics = [], scalar_prefetch = 0 : i64, scratch_operands = 0 : i64, tpu.core_type = #tpu.core_type<tc>} {
    %get3A = arith.constant 0 : index
    %get3A_0 = arith.constant 0 : index
    %get3A_1 = vector.load %arg0[%get3A, %get3A_0] : memref<2048x768xf32, #tpu.memory_space<vmem>>, vector<2048x768xf32>
    %bitcast_convert_type3A = tpu.bitcast %get3A_1 : vector<2048x768xf32> -> vector<2048x768xi32>
    %add3A = arith.constant 32767 : i32
    %add3A_2 = vector.broadcast %add3A : i32 to vector<2048x768xi32>
    %add3A_3 = arith.addi %bitcast_convert_type3A, %add3A_2 : vector<2048x768xi32>
    %shift_right_logical3A = arith.constant 16 : i32
    %shift_right_logical3A_4 = vector.broadcast %shift_right_logical3A : i32 to vector<2048x768xi32>
    %shift_right_logical3A_5 = arith.shrui %bitcast_convert_type3A, %shift_right_logical3A_4 : vector<2048x768xi32>
    %and3A = arith.constant 1 : i32
    %and3A_6 = vector.broadcast %and3A : i32 to vector<2048x768xi32>
    %and3A_7 = arith.andi %shift_right_logical3A_5, %and3A_6 : vector<2048x768xi32>
    %add3A_8 = arith.addi %add3A_3, %and3A_7 : vector<2048x768xi32>
    %shift_right_logical3A_9 = arith.constant 16 : i32
    %shift_right_logical3A_10 = vector.broadcast %shift_right_logical3A_9 : i32 to vector<2048x768xi32>
    %shift_right_logical3A_11 = arith.shrui %add3A_8, %shift_right_logical3A_10 : vector<2048x768xi32>
    %slice3A = vector.extract_strided_slice %shift_right_logical3A_11 {offsets = [0, 0], sizes = [2048, 384], strides = [1, 1]} : vector<2048x768xi32> to vector<2048x384xi32>
    %slice3A_12 = vector.extract_strided_slice %shift_right_logical3A_11 {offsets = [0, 384], sizes = [2048, 384], strides = [1, 1]} : vector<2048x768xi32> to vector<2048x384xi32>
    %shift_left3A = arith.constant 16 : i32
    %shift_left3A_13 = vector.broadcast %shift_left3A : i32 to vector<2048x384xi32>
    %shift_left3A_14 = arith.shli %slice3A_12, %shift_left3A_13 : vector<2048x384xi32>
    %or3A = arith.ori %slice3A, %shift_left3A_14 : vector<2048x384xi32>
    %bitcast_convert_type3A_15 = tpu.bitcast %or3A : vector<2048x384xi32> -> vector<2048x384xi32>
    %swap3A = arith.constant 0 : index
    %swap3A_16 = arith.constant 0 : index
    %swap3A_17 = vector.load %arg5[%swap3A, %swap3A_16] : memref<2048x384xi32, #tpu.memory_space<vmem>>, vector<2048x384xi32>
    tpu.vector_store %arg5[%swap3A, %swap3A_16], %bitcast_convert_type3A_15 {strides = array<i32>} : memref<2048x384xi32, #tpu.memory_space<vmem>>, vector<2048x384xi32>,
    %get3A_18 = arith.constant 0 : index
    %get3A_19 = arith.constant 0 : index
    %get3A_20 = vector.load %arg1[%get3A_18, %get3A_19] : memref<8x768xf32, #tpu.memory_space<vmem>>, vector<8x768xf32>
    %transpose3A = tpu.transpose %get3A_20, [1, 0] : vector<8x768xf32> -> vector<768x8xf32>
    %dot_general3A = arith.constant dense<0.000000e+00> : vector<2048x8xf32>
    %dot_general3A_21 = tpu.matmul %get3A_1, %transpose3A, %dot_general3A {dimension_numbers = #tpu.dot_dimension_numbers<[1], [0], [0], [1], [0, 0, 1, 1], [], []>, transpose_lhs_hint = false} : vector<2048x768xf32>, vector<768x8xf32>, vector<2048x8xf32> -> vector<2048x8xf32>
    %reduce_max3A = arith.constant dense<0xFF800000> : vector<2048xf32>
    %reduce_max3A_22 = vector.multi_reduction <maximumf>, %dot_general3A_21, %reduce_max3A [1] : vector<2048x8xf32> to vector<2048xf32>
    %max3A = arith.constant 0xFF800000 : f32
    %max3A_23 = vector.broadcast %max3A : f32 to vector<2048xf32>
    %max3A_24 = arith.maximumf %max3A_23, %reduce_max3A_22 : vector<2048xf32>
    %broadcast_in_dim3A = vector.shape_cast %max3A_24 : vector<2048xf32> to vector<2048x1xf32>
    %sub3A = vector.broadcast %broadcast_in_dim3A : vector<2048x1xf32> to vector<2048x8xf32>
    %sub3A_25 = arith.subf %dot_general3A_21, %sub3A : vector<2048x8xf32>
    %exp3A = math.exp %sub3A_25 : vector<2048x8xf32>
    %reduce_sum3A = arith.constant dense<0.000000e+00> : vector<2048xf32>
    %reduce_sum3A_26 = vector.multi_reduction <add>, %exp3A, %reduce_sum3A [1] : vector<2048x8xf32> to vector<2048xf32>
    %broadcast_in_dim3A_27 = vector.shape_cast %reduce_sum3A_26 : vector<2048xf32> to vector<2048x1xf32>
    %div3A = vector.broadcast %broadcast_in_dim3A_27 : vector<2048x1xf32> to vector<2048x8xf32>
    %div3A_28 = arith.divf %exp3A, %div3A : vector<2048x8xf32>
    %transpose3A_29 = tpu.transpose %div3A_28, [1, 0] : vector<2048x8xf32> -> vector<8x2048xf32>
    %iota3A = tpu.iota {dimensions = array<i32: 0>} : vector<8x2048xi32>
    %reduce_max3A_30 = arith.constant dense<0xFF800000> : vector<2048xf32>
    %reduce_max3A_31 = vector.multi_reduction <maximumf>, %transpose3A_29, %reduce_max3A_30 [0] : vector<8x2048xf32> to vector<2048xf32>
    %broadcast_in_dim3A_32 = vector.shape_cast %reduce_max3A_31 : vector<2048xf32> to vector<1x2048xf32>
    %eq3A = vector.broadcast %broadcast_in_dim3A_32 : vector<1x2048xf32> to vector<8x2048xf32>
    %eq3A_33 = arith.cmpf oeq, %transpose3A_29, %eq3A : vector<8x2048xf32>
    %jit3A = arith.constant 8 : i32
    %broadcast_in_dim3A_34 = vector.broadcast %jit3A : i32 to vector<8x2048xi32>
    %select_n3A = arith.select %eq3A_33, %iota3A, %broadcast_in_dim3A_34 : vector<8x2048xi1>, vector<8x2048xi32>
    %reduce_min3A = arith.constant dense<2147483647> : vector<2048xi32>
    %reduce_min3A_35 = vector.multi_reduction <minsi>, %select_n3A, %reduce_min3A [0] : vector<8x2048xi32> to vector<2048xi32>
    %broadcast_in_dim3A_36 = vector.shape_cast %reduce_min3A_35 : vector<2048xi32> to vector<1x2048xi32>
    %eq3A_37 = vector.broadcast %broadcast_in_dim3A_36 : vector<1x2048xi32> to vector<8x2048xi32>
    %eq3A_38 = arith.cmpi eq, %iota3A, %eq3A_37 : vector<8x2048xi32>
    %jit3A_39 = arith.constant 0xFF800000 : f32
    %broadcast_in_dim3A_40 = vector.broadcast %jit3A_39 : f32 to vector<8x2048xf32>
    %select_n3A_41 = arith.select %eq3A_38, %broadcast_in_dim3A_40, %transpose3A_29 : vector<8x2048xi1>, vector<8x2048xf32>
    %reduce_max3A_42 = arith.constant dense<0xFF800000> : vector<2048xf32>
    %reduce_max3A_43 = vector.multi_reduction <maximumf>, %select_n3A_41, %reduce_max3A_42 [0] : vector<8x2048xf32> to vector<2048xf32>
    %broadcast_in_dim3A_44 = vector.shape_cast %reduce_max3A_43 : vector<2048xf32> to vector<1x2048xf32>
    %eq3A_45 = vector.broadcast %broadcast_in_dim3A_44 : vector<1x2048xf32> to vector<8x2048xf32>
    %eq3A_46 = arith.cmpf oeq, %select_n3A_41, %eq3A_45 : vector<8x2048xf32>
    %jit3A_47 = arith.constant 8 : i32
    %broadcast_in_dim3A_48 = vector.broadcast %jit3A_47 : i32 to vector<8x2048xi32>
    %select_n3A_49 = arith.select %eq3A_46, %iota3A, %broadcast_in_dim3A_48 : vector<8x2048xi1>, vector<8x2048xi32>
    %reduce_min3A_50 = arith.constant dense<2147483647> : vector<2048xi32>
    %reduce_min3A_51 = vector.multi_reduction <minsi>, %select_n3A_49, %reduce_min3A_50 [0] : vector<8x2048xi32> to vector<2048xi32>
    %broadcast_in_dim3A_52 = vector.shape_cast %reduce_min3A_51 : vector<2048xi32> to vector<1x2048xi32>
    %add3A_53 = arith.addf %broadcast_in_dim3A_32, %broadcast_in_dim3A_44 : vector<1x2048xf32>
    %div3A_54 = arith.divf %broadcast_in_dim3A_32, %add3A_53 : vector<1x2048xf32>
    %div3A_55 = arith.divf %broadcast_in_dim3A_44, %add3A_53 : vector<1x2048xf32>
    %concatenate3A = tpu.concatenate %div3A_54, %div3A_55 in 0 : vector<1x2048xf32>, vector<1x2048xf32> -> vector<2x2048xf32>
    %swap3A_56 = arith.constant 0 : index
    %swap3A_57 = arith.constant 0 : index
    %swap3A_58 = vector.load %arg3[%swap3A_56, %swap3A_57] : memref<2x2048xf32, #tpu.memory_space<vmem>>, vector<2x2048xf32>
    tpu.vector_store %arg3[%swap3A_56, %swap3A_57], %concatenate3A {strides = array<i32>} : memref<2x2048xf32, #tpu.memory_space<vmem>>, vector<2x2048xf32>,
    %eq3A_59 = vector.broadcast %broadcast_in_dim3A_36 : vector<1x2048xi32> to vector<8x2048xi32>
    %eq3A_60 = arith.cmpi eq, %iota3A, %eq3A_59 : vector<8x2048xi32>
    %eq3A_61 = vector.broadcast %broadcast_in_dim3A_52 : vector<1x2048xi32> to vector<8x2048xi32>
    %eq3A_62 = arith.cmpi eq, %iota3A, %eq3A_61 : vector<8x2048xi32>
    %or3A_63 = arith.ori %eq3A_60, %eq3A_62 : vector<8x2048xi1>
    %convert_element_type3A = arith.extui %or3A_63 : vector<8x2048xi1> to vector<8x2048xi32>
    %broadcast_in_dim3A_64 = arith.constant 0 : i32
    %broadcast_in_dim3A_65 = vector.broadcast %broadcast_in_dim3A_64 : i32 to vector<8x1xi32>
    %slice3A_66 = vector.extract_strided_slice %convert_element_type3A {offsets = [0, 0], sizes = [8, 2047], strides = [1, 1]} : vector<8x2048xi32> to vector<8x2047xi32>
    %concatenate3A_67 = tpu.concatenate %broadcast_in_dim3A_65, %slice3A_66 in 1 : vector<8x1xi32>, vector<8x2047xi32> -> vector<8x2048xi32>
    %add3A_68 = arith.addi %convert_element_type3A, %concatenate3A_67 : vector<8x2048xi32>
    %broadcast_in_dim3A_69 = arith.constant 0 : i32
    %broadcast_in_dim3A_70 = vector.broadcast %broadcast_in_dim3A_69 : i32 to vector<8x2xi32>
    %slice3A_71 = vector.extract_strided_slice %add3A_68 {offsets = [0, 0], sizes = [8, 2046], strides = [1, 1]} : vector<8x2048xi32> to vector<8x2046xi32>
    %concatenate3A_72 = tpu.concatenate %broadcast_in_dim3A_70, %slice3A_71 in 1 : vector<8x2xi32>, vector<8x2046xi32> -> vector<8x2048xi32>
    %add3A_73 = arith.addi %add3A_68, %concatenate3A_72 : vector<8x2048xi32>
    %broadcast_in_dim3A_74 = arith.constant 0 : i32
    %broadcast_in_dim3A_75 = vector.broadcast %broadcast_in_dim3A_74 : i32 to vector<8x4xi32>
    %slice3A_76 = vector.extract_strided_slice %add3A_73 {offsets = [0, 0], sizes = [8, 2044], strides = [1, 1]} : vector<8x2048xi32> to vector<8x2044xi32>
    %concatenate3A_77 = tpu.concatenate %broadcast_in_dim3A_75, %slice3A_76 in 1 : vector<8x4xi32>, vector<8x2044xi32> -> vector<8x2048xi32>
    %add3A_78 = arith.addi %add3A_73, %concatenate3A_77 : vector<8x2048xi32>
    %broadcast_in_dim3A_79 = arith.constant 0 : i32
    %broadcast_in_dim3A_80 = vector.broadcast %broadcast_in_dim3A_79 : i32 to vector<8x8xi32>
    %slice3A_81 = vector.extract_strided_slice %add3A_78 {offsets = [0, 0], sizes = [8, 2040], strides = [1, 1]} : vector<8x2048xi32> to vector<8x2040xi32>
    %concatenate3A_82 = tpu.concatenate %broadcast_in_dim3A_80, %slice3A_81 in 1 : vector<8x8xi32>, vector<8x2040xi32> -> vector<8x2048xi32>
    %add3A_83 = arith.addi %add3A_78, %concatenate3A_82 : vector<8x2048xi32>
    %broadcast_in_dim3A_84 = arith.constant 0 : i32
    %broadcast_in_dim3A_85 = vector.broadcast %broadcast_in_dim3A_84 : i32 to vector<8x16xi32>
    %slice3A_86 = vector.extract_strided_slice %add3A_83 {offsets = [0, 0], sizes = [8, 2032], strides = [1, 1]} : vector<8x2048xi32> to vector<8x2032xi32>
    %concatenate3A_87 = tpu.concatenate %broadcast_in_dim3A_85, %slice3A_86 in 1 : vector<8x16xi32>, vector<8x2032xi32> -> vector<8x2048xi32>
    %add3A_88 = arith.addi %add3A_83, %concatenate3A_87 : vector<8x2048xi32>
    %broadcast_in_dim3A_89 = arith.constant 0 : i32
    %broadcast_in_dim3A_90 = vector.broadcast %broadcast_in_dim3A_89 : i32 to vector<8x32xi32>
    %slice3A_91 = vector.extract_strided_slice %add3A_88 {offsets = [0, 0], sizes = [8, 2016], strides = [1, 1]} : vector<8x2048xi32> to vector<8x2016xi32>
    %concatenate3A_92 = tpu.concatenate %broadcast_in_dim3A_90, %slice3A_91 in 1 : vector<8x32xi32>, vector<8x2016xi32> -> vector<8x2048xi32>
    %add3A_93 = arith.addi %add3A_88, %concatenate3A_92 : vector<8x2048xi32>
    %broadcast_in_dim3A_94 = arith.constant 0 : i32
    %broadcast_in_dim3A_95 = vector.broadcast %broadcast_in_dim3A_94 : i32 to vector<8x64xi32>
    %slice3A_96 = vector.extract_strided_slice %add3A_93 {offsets = [0, 0], sizes = [8, 1984], strides = [1, 1]} : vector<8x2048xi32> to vector<8x1984xi32>
    %concatenate3A_97 = tpu.concatenate %broadcast_in_dim3A_95, %slice3A_96 in 1 : vector<8x64xi32>, vector<8x1984xi32> -> vector<8x2048xi32>
    %add3A_98 = arith.addi %add3A_93, %concatenate3A_97 : vector<8x2048xi32>
    %broadcast_in_dim3A_99 = arith.constant 0 : i32
    %broadcast_in_dim3A_100 = vector.broadcast %broadcast_in_dim3A_99 : i32 to vector<8x128xi32>
    %slice3A_101 = vector.extract_strided_slice %add3A_98 {offsets = [0, 0], sizes = [8, 1920], strides = [1, 1]} : vector<8x2048xi32> to vector<8x1920xi32>
    %concatenate3A_102 = tpu.concatenate %broadcast_in_dim3A_100, %slice3A_101 in 1 : vector<8x128xi32>, vector<8x1920xi32> -> vector<8x2048xi32>
    %add3A_103 = arith.addi %add3A_98, %concatenate3A_102 : vector<8x2048xi32>
    %broadcast_in_dim3A_104 = arith.constant 0 : i32
    %broadcast_in_dim3A_105 = vector.broadcast %broadcast_in_dim3A_104 : i32 to vector<8x256xi32>
    %slice3A_106 = vector.extract_strided_slice %add3A_103 {offsets = [0, 0], sizes = [8, 1792], strides = [1, 1]} : vector<8x2048xi32> to vector<8x1792xi32>
    %concatenate3A_107 = tpu.concatenate %broadcast_in_dim3A_105, %slice3A_106 in 1 : vector<8x256xi32>, vector<8x1792xi32> -> vector<8x2048xi32>
    %add3A_108 = arith.addi %add3A_103, %concatenate3A_107 : vector<8x2048xi32>
    %broadcast_in_dim3A_109 = arith.constant 0 : i32
    %broadcast_in_dim3A_110 = vector.broadcast %broadcast_in_dim3A_109 : i32 to vector<8x512xi32>
    %slice3A_111 = vector.extract_strided_slice %add3A_108 {offsets = [0, 0], sizes = [8, 1536], strides = [1, 1]} : vector<8x2048xi32> to vector<8x1536xi32>
    %concatenate3A_112 = tpu.concatenate %broadcast_in_dim3A_110, %slice3A_111 in 1 : vector<8x512xi32>, vector<8x1536xi32> -> vector<8x2048xi32>
    %add3A_113 = arith.addi %add3A_108, %concatenate3A_112 : vector<8x2048xi32>
    %broadcast_in_dim3A_114 = arith.constant 0 : i32
    %broadcast_in_dim3A_115 = vector.broadcast %broadcast_in_dim3A_114 : i32 to vector<8x1024xi32>
    %slice3A_116 = vector.extract_strided_slice %add3A_113 {offsets = [0, 0], sizes = [8, 1024], strides = [1, 1]} : vector<8x2048xi32> to vector<8x1024xi32>
    %concatenate3A_117 = tpu.concatenate %broadcast_in_dim3A_115, %slice3A_116 in 1 : vector<8x1024xi32>, vector<8x1024xi32> -> vector<8x2048xi32>
    %add3A_118 = arith.addi %add3A_113, %concatenate3A_117 : vector<8x2048xi32>
    %slice3A_119 = vector.extract_strided_slice %add3A_118 {offsets = [0, 2047], sizes = [8, 1], strides = [1, 1]} : vector<8x2048xi32> to vector<8x1xi32>
    %add3A_120 = arith.constant 575 : i32
    %add3A_121 = vector.broadcast %add3A_120 : i32 to vector<8x1xi32>
    %add3A_122 = arith.addi %slice3A_119, %add3A_121 : vector<8x1xi32>
    %jit3A_123 = arith.constant 576 : i32
    %div3A_124 = vector.broadcast %jit3A_123 : i32 to vector<8x1xi32>
    %div3A_125 = arith.divsi %add3A_122, %div3A_124 : vector<8x1xi32>
    %sign3A = arith.constant 0 : i32
    %sign3A_126 = vector.broadcast %sign3A : i32 to vector<8x1xi32>
    %sign3A_127 = arith.cmpi sgt, %add3A_122, %sign3A_126 : vector<8x1xi32>
    %sign3A_128 = arith.extui %sign3A_127 : vector<8x1xi1> to vector<8x1xi32>
    %sign3A_129 = arith.constant 0 : i32
    %sign3A_130 = vector.broadcast %sign3A_129 : i32 to vector<8x1xi32>
    %sign3A_131 = arith.cmpi slt, %add3A_122, %sign3A_130 : vector<8x1xi32>
    %sign3A_132 = arith.extui %sign3A_131 : vector<8x1xi1> to vector<8x1xi32>
    %sign3A_133 = arith.subi %sign3A_128, %sign3A_132 : vector<8x1xi32>
    %sign3A_134 = arith.constant 0 : i32
    %sign3A_135 = arith.cmpi sgt, %jit3A_123, %sign3A_134 : i32
    %sign3A_136 = arith.extui %sign3A_135 : i1 to i32
    %sign3A_137 = arith.constant 0 : i32
    %sign3A_138 = arith.cmpi slt, %jit3A_123, %sign3A_137 : i32
    %sign3A_139 = arith.extui %sign3A_138 : i1 to i32
    %sign3A_140 = arith.subi %sign3A_136, %sign3A_139 : i32
    %ne3A = vector.broadcast %sign3A_140 : i32 to vector<8x1xi32>
    %ne3A_141 = arith.cmpi ne, %sign3A_133, %ne3A : vector<8x1xi32>
    %rem3A = vector.broadcast %jit3A_123 : i32 to vector<8x1xi32>
    %rem3A_142 = arith.remsi %add3A_122, %rem3A : vector<8x1xi32>
    %ne3A_143 = arith.constant 0 : i32
    %ne3A_144 = vector.broadcast %ne3A_143 : i32 to vector<8x1xi32>
    %ne3A_145 = arith.cmpi ne, %rem3A_142, %ne3A_144 : vector<8x1xi32>
    %and3A_146 = arith.andi %ne3A_141, %ne3A_145 : vector<8x1xi1>
    %sub3A_147 = arith.constant 1 : i32
    %sub3A_148 = vector.broadcast %sub3A_147 : i32 to vector<8x1xi32>
    %sub3A_149 = arith.subi %div3A_125, %sub3A_148 : vector<8x1xi32>
    %select_n3A_150 = arith.select %and3A_146, %sub3A_149, %div3A_125 : vector<8x1xi1>, vector<8x1xi32>
    %broadcast_in_dim3A_151 = arith.constant 0 : i32
    %broadcast_in_dim3A_152 = vector.broadcast %broadcast_in_dim3A_151 : i32 to vector<1x1xi32>
    %slice3A_153 = vector.extract_strided_slice %select_n3A_150 {offsets = [0, 0], sizes = [7, 1], strides = [1, 1]} : vector<8x1xi32> to vector<7x1xi32>
    %concatenate3A_154 = tpu.concatenate %broadcast_in_dim3A_152, %slice3A_153 in 0 : vector<1x1xi32>, vector<7x1xi32> -> vector<8x1xi32>
    %add3A_155 = arith.addi %select_n3A_150, %concatenate3A_154 : vector<8x1xi32>
    %broadcast_in_dim3A_156 = arith.constant 0 : i32
    %broadcast_in_dim3A_157 = vector.broadcast %broadcast_in_dim3A_156 : i32 to vector<2x1xi32>
    %slice3A_158 = vector.extract_strided_slice %add3A_155 {offsets = [0, 0], sizes = [6, 1], strides = [1, 1]} : vector<8x1xi32> to vector<6x1xi32>
    %concatenate3A_159 = tpu.concatenate %broadcast_in_dim3A_157, %slice3A_158 in 0 : vector<2x1xi32>, vector<6x1xi32> -> vector<8x1xi32>
    %add3A_160 = arith.addi %add3A_155, %concatenate3A_159 : vector<8x1xi32>
    %broadcast_in_dim3A_161 = arith.constant 0 : i32
    %broadcast_in_dim3A_162 = vector.broadcast %broadcast_in_dim3A_161 : i32 to vector<4x1xi32>
    %slice3A_163 = vector.extract_strided_slice %add3A_160 {offsets = [0, 0], sizes = [4, 1], strides = [1, 1]} : vector<8x1xi32> to vector<4x1xi32>
    %concatenate3A_164 = tpu.concatenate %broadcast_in_dim3A_162, %slice3A_163 in 0 : vector<4x1xi32>, vector<4x1xi32> -> vector<8x1xi32>
    %add3A_165 = arith.addi %add3A_160, %concatenate3A_164 : vector<8x1xi32>
    %sub3A_166 = arith.subi %add3A_165, %select_n3A_150 : vector<8x1xi32>
    %mul3A = arith.constant 576 : i32
    %mul3A_167 = vector.broadcast %mul3A : i32 to vector<8x1xi32>
    %mul3A_168 = arith.muli %mul3A_167, %sub3A_166 : vector<8x1xi32>
    %add3A_169 = vector.broadcast %mul3A_168 : vector<8x1xi32> to vector<8x2048xi32>
    %add3A_170 = arith.addi %add3A_169, %add3A_118 : vector<8x2048xi32>
    %sub3A_171 = arith.subi %add3A_170, %convert_element_type3A : vector<8x2048xi32>
    %eq3A_172 = vector.broadcast %broadcast_in_dim3A_36 : vector<1x2048xi32> to vector<8x2048xi32>
    %eq3A_173 = arith.cmpi eq, %iota3A, %eq3A_172 : vector<8x2048xi32>
    %jit3A_174 = arith.constant 0 : i32
    %broadcast_in_dim3A_175 = vector.broadcast %jit3A_174 : i32 to vector<8x2048xi32>
    %select_n3A_176 = arith.select %eq3A_173, %sub3A_171, %broadcast_in_dim3A_175 : vector<8x2048xi1>, vector<8x2048xi32>
    %reduce_sum3A_177 = arith.constant dense<0> : vector<2048xi32>
    %reduce_sum3A_178 = vector.multi_reduction <add>, %select_n3A_176, %reduce_sum3A_177 [0] : vector<8x2048xi32> to vector<2048xi32>
    %broadcast_in_dim3A_179 = vector.shape_cast %reduce_sum3A_178 : vector<2048xi32> to vector<1x2048xi32>
    %eq3A_180 = vector.broadcast %broadcast_in_dim3A_52 : vector<1x2048xi32> to vector<8x2048xi32>
    %eq3A_181 = arith.cmpi eq, %iota3A, %eq3A_180 : vector<8x2048xi32>
    %jit3A_182 = arith.constant 0 : i32
    %broadcast_in_dim3A_183 = vector.broadcast %jit3A_182 : i32 to vector<8x2048xi32>
    %select_n3A_184 = arith.select %eq3A_181, %sub3A_171, %broadcast_in_dim3A_183 : vector<8x2048xi1>, vector<8x2048xi32>
    %reduce_sum3A_185 = arith.constant dense<0> : vector<2048xi32>
    %reduce_sum3A_186 = vector.multi_reduction <add>, %select_n3A_184, %reduce_sum3A_185 [0] : vector<8x2048xi32> to vector<2048xi32>
    %broadcast_in_dim3A_187 = vector.shape_cast %reduce_sum3A_186 : vector<2048xi32> to vector<1x2048xi32>
    %concatenate3A_188 = tpu.concatenate %broadcast_in_dim3A_179, %broadcast_in_dim3A_187 in 0 : vector<1x2048xi32>, vector<1x2048xi32> -> vector<2x2048xi32>
    %swap3A_189 = arith.constant 0 : index
    %swap3A_190 = arith.constant 0 : index
    %swap3A_191 = vector.load %arg2[%swap3A_189, %swap3A_190] : memref<2x2048xi32, #tpu.memory_space<vmem>>, vector<2x2048xi32>
    tpu.vector_store %arg2[%swap3A_189, %swap3A_190], %concatenate3A_188 {strides = array<i32>} : memref<2x2048xi32, #tpu.memory_space<vmem>>, vector<2x2048xi32>,
    %iota3A_192 = tpu.iota {dimensions = array<i32: 1>} : vector<8x128xi32>
    %ge3A = vector.broadcast %add3A_165 : vector<8x1xi32> to vector<8x128xi32>
    %ge3A_193 = arith.cmpi sge, %iota3A_192, %ge3A : vector<8x128xi32>
    %convert_element_type3A_194 = arith.extui %ge3A_193 : vector<8x128xi1> to vector<8x128xi32>
    %reduce_sum3A_195 = arith.constant dense<0> : vector<128xi32>
    %reduce_sum3A_196 = vector.multi_reduction <add>, %convert_element_type3A_194, %reduce_sum3A_195 [0] : vector<8x128xi32> to vector<128xi32>
    %broadcast_in_dim3A_197 = vector.shape_cast %reduce_sum3A_196 : vector<128xi32> to vector<1x128xi32>
    %min3A = arith.constant 7 : i32
    %min3A_198 = vector.broadcast %min3A : i32 to vector<1x128xi32>
    %min3A_199 = arith.minsi %broadcast_in_dim3A_197, %min3A_198 : vector<1x128xi32>
    %iota3A_200 = tpu.iota {dimensions = array<i32: 1>} : vector<1x128xi32>
    %eq3A_201 = arith.constant 127 : i32
    %eq3A_202 = vector.broadcast %eq3A_201 : i32 to vector<1x128xi32>
    %eq3A_203 = arith.cmpi eq, %iota3A_200, %eq3A_202 : vector<1x128xi32>
    %slice3A_204 = vector.extract_strided_slice %add3A_165 {offsets = [7, 0], sizes = [1, 1], strides = [1, 1]} : vector<8x1xi32> to vector<1x1xi32>
    %broadcast_in_dim3A_205 = vector.shape_cast %slice3A_204 : vector<1x1xi32> to vector<1x1xi32>
    %broadcast_in_dim3A_206 = vector.broadcast %broadcast_in_dim3A_205 : vector<1x1xi32> to vector<1x128xi32>
    %select_n3A_207 = arith.select %eq3A_203, %broadcast_in_dim3A_206, %min3A_199 : vector<1x128xi1>, vector<1x128xi32>
    %swap3A_208 = arith.constant 0 : index
    %swap3A_209 = arith.constant 0 : index
    %swap3A_210 = vector.load %arg4[%swap3A_208, %swap3A_209] : memref<1x128xi32, #tpu.memory_space<vmem>>, vector<1x128xi32>
    tpu.vector_store %arg4[%swap3A_208, %swap3A_209], %select_n3A_207 {strides = array<i32>} : memref<1x128xi32, #tpu.memory_space<vmem>>, vector<1x128xi32>,
    return
  }
}

module attributes {stable_mosaic.version = 14 : i64} {
  func.func @_combine_body(%arg0: i32, %arg1: memref<2x256x384xi32, #tpu.memory_space<vmem>>, %arg2: memref<2x256xf32, #tpu.memory_space<vmem>>, %arg3: memref<256x768xf32, #tpu.memory_space<vmem>>) attributes {dimension_semantics = [#tpu.dimension_semantics<arbitrary>], iteration_bounds = array<i64: 8>, scalar_prefetch = 0 : i64, scratch_operands = 0 : i64, tpu.core_type = #tpu.core_type<tc>, window_params = [{transform_indices = @transform_0, window_bounds = array<i64: 2, 256, 384>}, {transform_indices = @transform_1, window_bounds = array<i64: 2, 256>}, {transform_indices = @transform_2, window_bounds = array<i64: 256, 768>}]} {
    %get3A = arith.constant 0 : index
    %get3A_0 = arith.constant 0 : index
    %get3A_1 = arith.constant 0 : index
    %get3A_2 = vector.load %arg1[%get3A, %get3A_0, %get3A_1] : memref<2x256x384xi32, #tpu.memory_space<vmem>>, vector<1x256x384xi32>
    %get3A_3 = vector.shape_cast %get3A_2 : vector<1x256x384xi32> to vector<256x384xi32>
    %bitcast_convert_type3A = tpu.bitcast %get3A_3 : vector<256x384xi32> -> vector<256x384xi32>
    %shift_left3A = arith.constant 16 : i32
    %shift_left3A_4 = vector.broadcast %shift_left3A : i32 to vector<256x384xi32>
    %shift_left3A_5 = arith.shli %bitcast_convert_type3A, %shift_left3A_4 : vector<256x384xi32>
    %bitcast_convert_type3A_6 = tpu.bitcast %shift_left3A_5 : vector<256x384xi32> -> vector<256x384xf32>
    %and3A = arith.constant -65536 : i32
    %and3A_7 = vector.broadcast %and3A : i32 to vector<256x384xi32>
    %and3A_8 = arith.andi %bitcast_convert_type3A, %and3A_7 : vector<256x384xi32>
    %bitcast_convert_type3A_9 = tpu.bitcast %and3A_8 : vector<256x384xi32> -> vector<256x384xf32>
    %concatenate3A = tpu.concatenate %bitcast_convert_type3A_6, %bitcast_convert_type3A_9 in 1 : vector<256x384xf32>, vector<256x384xf32> -> vector<256x768xf32>
    %get3A_10 = arith.constant 1 : index
    %get3A_11 = arith.constant 0 : index
    %get3A_12 = arith.constant 0 : index
    %get3A_13 = vector.load %arg1[%get3A_10, %get3A_11, %get3A_12] : memref<2x256x384xi32, #tpu.memory_space<vmem>>, vector<1x256x384xi32>
    %get3A_14 = vector.shape_cast %get3A_13 : vector<1x256x384xi32> to vector<256x384xi32>
    %bitcast_convert_type3A_15 = tpu.bitcast %get3A_14 : vector<256x384xi32> -> vector<256x384xi32>
    %shift_left3A_16 = arith.constant 16 : i32
    %shift_left3A_17 = vector.broadcast %shift_left3A_16 : i32 to vector<256x384xi32>
    %shift_left3A_18 = arith.shli %bitcast_convert_type3A_15, %shift_left3A_17 : vector<256x384xi32>
    %bitcast_convert_type3A_19 = tpu.bitcast %shift_left3A_18 : vector<256x384xi32> -> vector<256x384xf32>
    %and3A_20 = arith.constant -65536 : i32
    %and3A_21 = vector.broadcast %and3A_20 : i32 to vector<256x384xi32>
    %and3A_22 = arith.andi %bitcast_convert_type3A_15, %and3A_21 : vector<256x384xi32>
    %bitcast_convert_type3A_23 = tpu.bitcast %and3A_22 : vector<256x384xi32> -> vector<256x384xf32>
    %concatenate3A_24 = tpu.concatenate %bitcast_convert_type3A_19, %bitcast_convert_type3A_23 in 1 : vector<256x384xf32>, vector<256x384xf32> -> vector<256x768xf32>
    %get3A_25 = arith.constant 0 : index
    %get3A_26 = arith.constant 0 : index
    %get3A_27 = vector.load %arg2[%get3A_25, %get3A_26] : memref<2x256xf32, #tpu.memory_space<vmem>>, vector<1x256xf32>
    %get3A_28 = vector.shape_cast %get3A_27 : vector<1x256xf32> to vector<256xf32>
    %broadcast_in_dim3A = vector.shape_cast %get3A_28 : vector<256xf32> to vector<256x1xf32>
    %get3A_29 = arith.constant 1 : index
    %get3A_30 = arith.constant 0 : index
    %get3A_31 = vector.load %arg2[%get3A_29, %get3A_30] : memref<2x256xf32, #tpu.memory_space<vmem>>, vector<1x256xf32>
    %get3A_32 = vector.shape_cast %get3A_31 : vector<1x256xf32> to vector<256xf32>
    %broadcast_in_dim3A_33 = vector.shape_cast %get3A_32 : vector<256xf32> to vector<256x1xf32>
    %mul3A = vector.broadcast %broadcast_in_dim3A : vector<256x1xf32> to vector<256x768xf32>
    %mul3A_34 = arith.mulf %mul3A, %concatenate3A : vector<256x768xf32>
    %mul3A_35 = vector.broadcast %broadcast_in_dim3A_33 : vector<256x1xf32> to vector<256x768xf32>
    %mul3A_36 = arith.mulf %mul3A_35, %concatenate3A_24 : vector<256x768xf32>
    %add3A = arith.addf %mul3A_34, %mul3A_36 : vector<256x768xf32>
    %swap3A = arith.constant 0 : index
    %swap3A_37 = arith.constant 0 : index
    %swap3A_38 = vector.load %arg3[%swap3A, %swap3A_37] : memref<256x768xf32, #tpu.memory_space<vmem>>, vector<256x768xf32>
    tpu.vector_store %arg3[%swap3A, %swap3A_37], %add3A {strides = array<i32>} : memref<256x768xf32, #tpu.memory_space<vmem>>, vector<256x768xf32>,
    return
  }
  func.func @transform_0(%arg0: i32) -> (i32, i32, i32) {
    %c0_i32 = arith.constant 0 : i32
    %c0_i32_0 = arith.constant 0 : i32
    %c0_i32_1 = arith.constant 0 : i32
    return %c0_i32, %arg0, %c0_i32_0 : i32, i32, i32
  }
  func.func @transform_1(%arg0: i32) -> (i32, i32) {
    %c0_i32 = arith.constant 0 : i32
    %c0_i32_0 = arith.constant 0 : i32
    return %c0_i32, %arg0 : i32, i32
  }
  func.func @transform_2(%arg0: i32) -> (i32, i32) {
    %c0_i32 = arith.constant 0 : i32
    %c0_i32_0 = arith.constant 0 : i32
    return %arg0, %c0_i32 : i32, i32
  }
}

module attributes {stable_mosaic.version = 14 : i64} {
  func.func @_gmm_body(%arg0: i32, %arg1: memref<128xi32, #tpu.memory_space<smem>>, %arg2: memref<576x384xi32, #tpu.memory_space<vmem>>, %arg3: memref<1x2048x768xf32, #tpu.memory_space<vmem>>, %arg4: memref<1x768x1024xf32, #tpu.memory_space<vmem>>, %arg5: memref<768xf32, #tpu.memory_space<vmem>>, %arg6: memref<576x384xi32, #tpu.memory_space<vmem>>) attributes {dimension_semantics = [#tpu.dimension_semantics<arbitrary>], iteration_bounds = array<i64: 15>, scalar_prefetch = 1 : i64, scratch_operands = 0 : i64, tpu.core_type = #tpu.core_type<tc>, window_params = [{transform_indices = @transform_0, window_bounds = array<i64: 576, 384>}, {transform_indices = @transform_1, window_bounds = array<i64: 1, 2048, 768>}, {transform_indices = @transform_2, window_bounds = array<i64: 1, 768, 1024>}, {pipeline_mode = #tpu.pipeline_mode<synchronous>, transform_indices = @transform_3, window_bounds = array<i64: 768>}, {transform_indices = @transform_4, window_bounds = array<i64: 576, 384>}]} {
    %get3A = arith.constant 127 : index
    %get3A_0 = memref.load %arg1[%get3A] : memref<128xi32, #tpu.memory_space<smem>>
    %lt3A = arith.cmpi slt, %arg0, %get3A_0 : i32
    %convert_element_type3A = arith.extui %lt3A : i1 to i32
    %cond3A = arith.constant 0 : i32
    %cond3A_1 = arith.cmpi ne, %convert_element_type3A, %cond3A : i32
    scf.if %cond3A_1 {
      %get3A_2 = arith.constant 0 : index
      %get3A_3 = arith.constant 0 : index
      %get3A_4 = vector.load %arg2[%get3A_2, %get3A_3] : memref<576x384xi32, #tpu.memory_space<vmem>>, vector<576x384xi32>
      %bitcast_convert_type3A = tpu.bitcast %get3A_4 : vector<576x384xi32> -> vector<576x384xi32>
      %shift_left3A = arith.constant 16 : i32
      %shift_left3A_5 = vector.broadcast %shift_left3A : i32 to vector<576x384xi32>
      %shift_left3A_6 = arith.shli %bitcast_convert_type3A, %shift_left3A_5 : vector<576x384xi32>
      %bitcast_convert_type3A_7 = tpu.bitcast %shift_left3A_6 : vector<576x384xi32> -> vector<576x384xf32>
      %and3A = arith.constant -65536 : i32
      %and3A_8 = vector.broadcast %and3A : i32 to vector<576x384xi32>
      %and3A_9 = arith.andi %bitcast_convert_type3A, %and3A_8 : vector<576x384xi32>
      %bitcast_convert_type3A_10 = tpu.bitcast %and3A_9 : vector<576x384xi32> -> vector<576x384xf32>
      %concatenate3A = tpu.concatenate %bitcast_convert_type3A_7, %bitcast_convert_type3A_10 in 1 : vector<576x384xf32>, vector<576x384xf32> -> vector<576x768xf32>
      %get3A_11 = arith.constant 0 : index
      %get3A_12 = arith.constant 0 : index
      %get3A_13 = arith.constant 0 : index
      %get3A_14 = vector.load %arg3[%get3A_11, %get3A_12, %get3A_13] : memref<1x2048x768xf32, #tpu.memory_space<vmem>>, vector<1x2048x768xf32>
      %get3A_15 = vector.shape_cast %get3A_14 : vector<1x2048x768xf32> to vector<2048x768xf32>
      %transpose3A = tpu.transpose %get3A_15, [1, 0] : vector<2048x768xf32> -> vector<768x2048xf32>
      %dot_general3A = arith.constant dense<0.000000e+00> : vector<576x2048xf32>
      %dot_general3A_16 = tpu.matmul %concatenate3A, %transpose3A, %dot_general3A {dimension_numbers = #tpu.dot_dimension_numbers<[1], [0], [0], [1], [0, 0, 1, 1], [], []>, transpose_lhs_hint = false} : vector<576x768xf32>, vector<768x2048xf32>, vector<576x2048xf32> -> vector<576x2048xf32>
      %slice3A = vector.extract_strided_slice %dot_general3A_16 {offsets = [0, 0], sizes = [576, 1024], strides = [1, 1]} : vector<576x2048xf32> to vector<576x1024xf32>
      %slice3A_17 = vector.extract_strided_slice %dot_general3A_16 {offsets = [0, 1024], sizes = [576, 1024], strides = [1, 1]} : vector<576x2048xf32> to vector<576x1024xf32>
      %logistic3A = arith.negf %slice3A : vector<576x1024xf32>
      %logistic3A_18 = math.exp %logistic3A : vector<576x1024xf32>
      %logistic3A_19 = arith.constant 1.000000e+00 : f32
      %logistic3A_20 = vector.broadcast %logistic3A_19 : f32 to vector<576x1024xf32>
      %logistic3A_21 = arith.addf %logistic3A_20, %logistic3A_18 : vector<576x1024xf32>
      %logistic3A_22 = arith.divf %logistic3A_20, %logistic3A_21 : vector<576x1024xf32>
      %mul3A = arith.mulf %slice3A, %logistic3A_22 : vector<576x1024xf32>
      %mul3A_23 = arith.mulf %mul3A, %slice3A_17 : vector<576x1024xf32>
      %get3A_24 = arith.constant 0 : index
      %get3A_25 = arith.constant 0 : index
      %get3A_26 = arith.constant 0 : index
      %get3A_27 = vector.load %arg4[%get3A_24, %get3A_25, %get3A_26] : memref<1x768x1024xf32, #tpu.memory_space<vmem>>, vector<1x768x1024xf32>
      %get3A_28 = vector.shape_cast %get3A_27 : vector<1x768x1024xf32> to vector<768x1024xf32>
      %transpose3A_29 = tpu.transpose %get3A_28, [1, 0] : vector<768x1024xf32> -> vector<1024x768xf32>
      %dot_general3A_30 = arith.constant dense<0.000000e+00> : vector<576x768xf32>
      %dot_general3A_31 = tpu.matmul %mul3A_23, %transpose3A_29, %dot_general3A_30 {dimension_numbers = #tpu.dot_dimension_numbers<[1], [0], [0], [1], [0, 0, 1, 1], [], []>, transpose_lhs_hint = false} : vector<576x1024xf32>, vector<1024x768xf32>, vector<576x768xf32> -> vector<576x768xf32>
      %get3A_32 = arith.constant 0 : index
      %get3A_33 = vector.load %arg5[%get3A_32] : memref<768xf32, #tpu.memory_space<vmem>>, vector<768xf32>
      %broadcast_in_dim3A = vector.shape_cast %get3A_33 : vector<768xf32> to vector<1x768xf32>
      %add3A = vector.broadcast %broadcast_in_dim3A : vector<1x768xf32> to vector<576x768xf32>
      %add3A_34 = arith.addf %dot_general3A_31, %add3A : vector<576x768xf32>
      %bitcast_convert_type3A_35 = tpu.bitcast %add3A_34 : vector<576x768xf32> -> vector<576x768xi32>
      %add3A_36 = arith.constant 32767 : i32
      %add3A_37 = vector.broadcast %add3A_36 : i32 to vector<576x768xi32>
      %add3A_38 = arith.addi %bitcast_convert_type3A_35, %add3A_37 : vector<576x768xi32>
      %shift_right_logical3A = arith.constant 16 : i32
      %shift_right_logical3A_39 = vector.broadcast %shift_right_logical3A : i32 to vector<576x768xi32>
      %shift_right_logical3A_40 = arith.shrui %bitcast_convert_type3A_35, %shift_right_logical3A_39 : vector<576x768xi32>
      %and3A_41 = arith.constant 1 : i32
      %and3A_42 = vector.broadcast %and3A_41 : i32 to vector<576x768xi32>
      %and3A_43 = arith.andi %shift_right_logical3A_40, %and3A_42 : vector<576x768xi32>
      %add3A_44 = arith.addi %add3A_38, %and3A_43 : vector<576x768xi32>
      %shift_right_logical3A_45 = arith.constant 16 : i32
      %shift_right_logical3A_46 = vector.broadcast %shift_right_logical3A_45 : i32 to vector<576x768xi32>
      %shift_right_logical3A_47 = arith.shrui %add3A_44, %shift_right_logical3A_46 : vector<576x768xi32>
      %slice3A_48 = vector.extract_strided_slice %shift_right_logical3A_47 {offsets = [0, 0], sizes = [576, 384], strides = [1, 1]} : vector<576x768xi32> to vector<576x384xi32>
      %slice3A_49 = vector.extract_strided_slice %shift_right_logical3A_47 {offsets = [0, 384], sizes = [576, 384], strides = [1, 1]} : vector<576x768xi32> to vector<576x384xi32>
      %shift_left3A_50 = arith.constant 16 : i32
      %shift_left3A_51 = vector.broadcast %shift_left3A_50 : i32 to vector<576x384xi32>
      %shift_left3A_52 = arith.shli %slice3A_49, %shift_left3A_51 : vector<576x384xi32>
      %or3A = arith.ori %slice3A_48, %shift_left3A_52 : vector<576x384xi32>
      %bitcast_convert_type3A_53 = tpu.bitcast %or3A : vector<576x384xi32> -> vector<576x384xi32>
      %swap3A = arith.constant 0 : index
      %swap3A_54 = arith.constant 0 : index
      %swap3A_55 = vector.load %arg6[%swap3A, %swap3A_54] : memref<576x384xi32, #tpu.memory_space<vmem>>, vector<576x384xi32>
      tpu.vector_store %arg6[%swap3A, %swap3A_54], %bitcast_convert_type3A_53 {strides = array<i32>} : memref<576x384xi32, #tpu.memory_space<vmem>>, vector<576x384xi32>,
    } else {
    }
    return
  }
  func.func @transform_0(%arg0: i32, %arg1: memref<128xi32, #tpu.memory_space<smem>>) -> (i32, i32) {
    %get3A = arith.constant 127 : index
    %get3A_0 = memref.load %arg1[%get3A] : memref<128xi32, #tpu.memory_space<smem>>
    %sub3A = arith.constant 1 : i32
    %sub3A_1 = arith.subi %get3A_0, %sub3A : i32
    %min3A = arith.minsi %arg0, %sub3A_1 : i32
    %c0_i32 = arith.constant 0 : i32
    %c0_i32_2 = arith.constant 0 : i32
    return %min3A, %c0_i32 : i32, i32
  }
  func.func @transform_1(%arg0: i32, %arg1: memref<128xi32, #tpu.memory_space<smem>>) -> (i32, i32, i32) {
    %get3A = arith.constant 127 : index
    %get3A_0 = memref.load %arg1[%get3A] : memref<128xi32, #tpu.memory_space<smem>>
    %sub3A = arith.constant 1 : i32
    %sub3A_1 = arith.subi %get3A_0, %sub3A : i32
    %min3A = arith.minsi %arg0, %sub3A_1 : i32
    %get3A_2 = arith.index_cast %min3A : i32 to index
    %get3A_3 = memref.load %arg1[%get3A_2] : memref<128xi32, #tpu.memory_space<smem>>
    %c0_i32 = arith.constant 0 : i32
    %c0_i32_4 = arith.constant 0 : i32
    %c0_i32_5 = arith.constant 0 : i32
    return %get3A_3, %c0_i32, %c0_i32_4 : i32, i32, i32
  }
  func.func @transform_2(%arg0: i32, %arg1: memref<128xi32, #tpu.memory_space<smem>>) -> (i32, i32, i32) {
    %get3A = arith.constant 127 : index
    %get3A_0 = memref.load %arg1[%get3A] : memref<128xi32, #tpu.memory_space<smem>>
    %sub3A = arith.constant 1 : i32
    %sub3A_1 = arith.subi %get3A_0, %sub3A : i32
    %min3A = arith.minsi %arg0, %sub3A_1 : i32
    %get3A_2 = arith.index_cast %min3A : i32 to index
    %get3A_3 = memref.load %arg1[%get3A_2] : memref<128xi32, #tpu.memory_space<smem>>
    %c0_i32 = arith.constant 0 : i32
    %c0_i32_4 = arith.constant 0 : i32
    %c0_i32_5 = arith.constant 0 : i32
    return %get3A_3, %c0_i32, %c0_i32_4 : i32, i32, i32
  }
  func.func @transform_3(%arg0: i32, %arg1: memref<128xi32, #tpu.memory_space<smem>>) -> i32 {
    %c0_i32 = arith.constant 0 : i32
    %c0_i32_0 = arith.constant 0 : i32
    return %c0_i32 : i32
  }
  func.func @transform_4(%arg0: i32, %arg1: memref<128xi32, #tpu.memory_space<smem>>) -> (i32, i32) {
    %get3A = arith.constant 127 : index
    %get3A_0 = memref.load %arg1[%get3A] : memref<128xi32, #tpu.memory_space<smem>>
    %lt3A = arith.cmpi slt, %arg0, %get3A_0 : i32
    %jit3A = arith.constant 14 : i32
    %select_n3A = arith.select %lt3A, %arg0, %jit3A : i32
    %c0_i32 = arith.constant 0 : i32
    %c0_i32_1 = arith.constant 0 : i32
    return %select_n3A, %c0_i32 : i32, i32
  }
}

</mosaic_0001>

<sc_bundles>
// kernel: kernel.10.cloned.1.call-start
scs
__scs_entry_jumppad:
0x0: {  	(pc) =	sbr.rel $0x88, $3  }
0x1: {  	(tag) =	ssettag $0x0;
	lr =	simm.s32 $0x1  }
0x2: {  	[smem:$0x3F9C] =	sst lr;
	_ =	strace $0xD0000000  }
0x3: {  	_ = 	snop  }
0x4: {  	_ = 	snop  }
0x5: {  	_ = 	snop  }
0x6: {  	_ = 	snop  }
0x7: {  	_ = 	snop  }
__scs_overlays_trampoline_lowered:
0x8: {  	[smem:$0x3FAB] =	sst s0  }
0x9: {  	[smem:$0x3FAC] =	sst s1  }
0xa: {  	[smem:$0x3FAD] =	sst s2  }
0xb: {  	[smem:$0x3FAE] =	sst s3  }
0xc: {  	[smem:$0x3FAF] =	sst s4  }
0xd: {  	[smem:$0x3FB0] =	sst s5  }
0xe: {  	[smem:$0x3FB1] =	sst s6  }
0xf: {  	[smem:$0x3FB2] =	sst s7  }
0x10: {  	[smem:$0x3FB3] =	sst s8  }
0x11: {  	[smem:$0x3FB4] =	sst s9;
	s0 =	simm.s32 @!p0 $0x0  }
0x12: {  	s1 =	sld [smem:$0x3F9A];
	s0 =	simm.s32 @p0 $0x1  }
0x13: {  	[smem:$0x3FB5] =	sst s0;
	s0 =	simm.s32 @!p1 $0x0  }
0x14: {  	s2 =	sld [smem:$0x3F99];
	s0 =	simm.s32 @p1 $0x1  }
0x15: {  	[smem:$0x3FB6] =	sst s0;
	s0 =	simm.s32 @!p2 $0x0  }
0x16: {  	s3 =	sld [smem:$0x3FDB];
	s0 =	simm.s32 @p2 $0x1  }
0x17: {  	s4 =	simm.s32 $0x1BF5;
	[smem:$0x3FB8] =	sst s0  }
0x18: {  	s0 =	sld [smem:$0x3F9B];
	_ =	swait.ge [sflag:s4], $0x0  }
0x19: {  	s7 =	sld [smem:$0x3F9C]  }
0x1a: {  	s8 =	sadd.s32 $0xFFFFE003, lr  }
0x1b: {  	s9 =	sadd.s32 $0xFFFFFEF7, lr;
	s5 =	simm.s32 $0xFFFFFFFF;
	p2 =	slt.u32 s8, $0xFFFFF086  }
0x1c: {  	p1 =	slt.u32 s9, $0xF7A;
	s5 =	simm.s32 @!p2 $0x0  }
0x1d: {  	s5 =	simm.s32 @p1 $0x1;
	p0 =	seq.s32 s7, s2  }
0x1e: {  	s7 =	smul.u32 @!p0 $0xF7A, s2;
	p2 =	seq.s32 @!p0 s5, $0x0  }
0x1f: {  	s9 =	smul.u32 $0xF7A, s1;
	s8 =	simm.s32 @!p0 $0x1BF5;
	p2 =	por !p2, p0  }
0x20: {  	[sflag:s8] =	ssyncset.s32 @!p0 $0xFFFFF086;
	s6 =	sadd.s32 @!p0 s3, s7;
	s7 =	simm.s32 @!p0 $0x108  }
0x21: {  	s3 =	sadd.s32 s3, s9;
	s6 =	sadd.s32 @!p0 $0x88, s6;
	s7 =	simm.s32 @p2 $0x1082  }
0x22: {  	[simem:s7], [sflag:s8] =	dma.local @!p0 [hbm:s6], $0xF7A  }
0x23: {  	s9 =	sor.u32 $0xD0000000, s2;
	s6 =	simm.s32 $0x108;
	_ =	swait.ge @!p0 [sflag:s8], $0x0  }
0x24: {  	s3 =	sadd.s32 $0x88, s3;
	s6 =	simm.s32 @!p1 $0x1082;
	[sflag:s4] =	ssyncset.s32 $0xFFFFF086  }
0x25: {  	[simem:s6], [sflag:s4] =	dma.local [hbm:s3], $0xF7A  }
0x26: {  	[smem:$0x3F9C] =	sst s1;
	(tag) =	ssettag s2;
	_ =	strace s9  }
0x27: {  	s1 =	sld [smem:$0x3FAC]  }
0x28: {  	s2 =	sld [smem:$0x3FAD]  }
0x29: {  	s4 =	sld [smem:$0x3FAF]  }
0x2a: {  	p0 =	seq.s32 s5, $0x0;
	s5 =	sld [smem:$0x3FB0]  }
0x2b: {  	s6 =	sld [smem:$0x3FB1]  }
0x2c: {  	s7 =	sld [smem:$0x3FB2]  }
0x2d: {  	s3 =	simm.s32 $0x108;
	s8 =	sld [smem:$0x3FB3]  }
0x2e: {  	s3 =	simm.s32 @!p0 $0x1082;
	s9 =	sld [smem:$0x3FB4]  }
0x2f: {  	lr =	sadd.s32 s0, s3;
	s0 =	sld [smem:$0x3FAB]  }
0x30: {  	s3 =	sld [smem:$0x3FAE]  }
0x31: {  	[smem:$0x3FB7] =	sst s10  }
0x32: {  	s10 =	sld [smem:$0x3FB5];
	_ =	sdelay $0x3  }
0x33: {  	p0 =	seq.s32 s10, $0x1;
	s10 =	sld [smem:$0x3FB7];
	_ =	sdelay $0x3  }
0x34: {  	[smem:$0x3FB7] =	sst s10  }
0x35: {  	s10 =	sld [smem:$0x3FB6];
	_ =	sdelay $0x3  }
0x36: {  	p1 =	seq.s32 s10, $0x1;
	s10 =	sld [smem:$0x3FB7];
	_ =	sdelay $0x3  }
0x37: {  	[smem:$0x3FB7] =	sst s10  }
0x38: {  	s10 =	sld [smem:$0x3FB8]  }
0x39: {  	_ = 	snop;
	(pc) =	sbr.ind lr, $3  }
0x3a: {  	_ = 	snop  }
0x3b: {  	_ = 	snop  }
0x3c: {  	p2 =	seq.s32 s10, $0x1;
	s10 =	sld [smem:$0x3FB7]  }
0x3d: {  	_ =	shalt  }
0x3e: {  	_ =	shalt  }
0x3f: {  	_ =	shalt  }
0x40: {  	_ =	shalt  }
0x41: {  	_ =	shalt  }
0x42: {  	_ =	shalt  }
0x43: {  	_ =	shalt  }
0x44: {  	_ =	shalt  }
0x45: {  	_ =	shalt  }
0x46: {  	_ =	shalt  }
0x47: {  	_ =	shalt  }
0x48: {  	_ =	shalt  }
0x49: {  	_ =	shalt  }
0x4a: {  	_ =	shalt  }
0x4b: {  	_ =	shalt  }
0x4c: {  	_ =	shalt  }
0x4d: {  	_ =	shalt  }
0x4e: {  	_ =	shalt  }
0x4f: {  	_ =	shalt  }
0x50: {  	_ =	shalt  }
0x51: {  	_ =	shalt  }
0x52: {  	_ =	shalt  }
0x53: {  	_ =	shalt  }
0x54: {  	_ =	shalt  }
0x55: {  	_ =	shalt  }
0x56: {  	_ =	shalt  }
0x57: {  	_ =	shalt  }
0x58: {  	_ =	shalt  }
0x59: {  	_ =	shalt  }
0x5a: {  	_ =	shalt  }
0x5b: {  	_ =	shalt  }
0x5c: {  	_ =	shalt  }
0x5d: {  	_ =	shalt  }
0x5e: {  	_ =	shalt  }
0x5f: {  	_ =	shalt  }
0x60: {  	_ =	shalt  }
0x61: {  	_ =	shalt  }
0x62: {  	_ =	shalt  }
0x63: {  	_ =	shalt  }
0x64: {  	_ =	shalt  }
0x65: {  	_ =	shalt  }
0x66: {  	_ =	shalt  }
0x67: {  	_ =	shalt  }
0x68: {  	_ =	shalt  }
0x69: {  	_ =	shalt  }
0x6a: {  	_ =	shalt  }
0x6b: {  	_ =	shalt  }
0x6c: {  	_ =	shalt  }
0x6d: {  	_ =	shalt  }
0x6e: {  	_ =	shalt  }
0x6f: {  	_ =	shalt  }
0x70: {  	_ =	shalt  }
0x71: {  	_ =	shalt  }
0x72: {  	_ =	shalt  }
0x73: {  	_ =	shalt  }
0x74: {  	_ =	shalt  }
0x75: {  	_ =	shalt  }
0x76: {  	_ =	shalt  }
0x77: {  	_ =	shalt  }
0x78: {  	_ =	shalt  }
0x79: {  	_ =	shalt  }
0x7a: {  	_ =	shalt  }
0x7b: {  	_ =	shalt  }
0x7c: {  	_ =	shalt  }
0x7d: {  	_ =	shalt  }
0x7e: {  	_ =	shalt  }
0x7f: {  	_ =	shalt  }
0x80: {  	_ =	shalt  }
0x81: {  	_ =	shalt  }
0x82: {  	_ =	shalt  }
0x83: {  	_ =	shalt  }
0x84: {  	_ =	shalt  }
0x85: {  	_ =	shalt  }
0x86: {  	_ =	shalt  }
0x87: {  	_ =	shalt  }
.Lfunc_end0:
.L_simem_size_0:
called_computation.1_lowered:
.L_overlay_start_0:
0x88: {  	s2 =	sld [smem:$0x3FD9]  }
0x89: {  	s3 =	sld [smem:$0x3FFE];
	_ =	sdelay $0x1  }
0x8a: {  	s1 =	srdreg.scid  }
0x8b: {  	s0 =	sand.u32 $0x1, s1  }
0x8c: {  	s17 =	sshll.u32 s0, $0xA;
	s2 =	sadd.s32 s3, s2  }
0x8d: {  	s2 =	sadd.s32 s2, s17  }
0x8e: {  	[smem:$0x3FC3] =	sst s2  }
0x8f: {  	_ = 	snop  }
0x90: {  	s2 =	sld [smem:$0x3FD0];
	(tm) =	ssettm $0x1  }
0x91: {  	s18 =	sld [smem:$0x3FFB];
	_ =	sdelay $0x3  }
0x92: {  	_ =	strace s18  }
0x93: {  	s3 =	sld [smem:$0x3FFC];
	_ =	sdelay $0x3  }
0x94: {  	_ =	strace s3  }
0x95: {  	s3 =	sld [smem:$0x3FFD];
	_ =	sdelay $0x3  }
0x96: {  	_ =	strace s3  }
0x97: {  	_ =	strace $0x8FFFFFFF  }
0x98: {  	s19 =	sld [smem:$0x3FDB];
	_ =	sdelay $0x1  }
0x99: {  	s4 =	simm.s32 $_scs_section_size  }
0x9a: {  	s5 =	simm.s32 $_size__tile_overlayer_lowered;
	s6 =	simm.s32 $_tile_overlayer_lowered  }
0x9b: {  	s22 =	simm.s32 $0x1BFF;
	s21 =	sshll.u32 s6, $0x1;
	s3 =	sadd.s32 s4, s19  }
0x9c: {  	s7 =	simm.s32 $0x0;
	s20 =	sshll.u32 s5, $0x1;
	s5 =	sadd.s32 s21, s3  }
0x9d: {  	[timem:s7], [sflag:s22] =	dma.local [hbm:s5], s20  }
0x9e: {  	_ =	swait.ge [sflag:s22], s20  }
0x9f: {  	s4 =	ssub.s32 $0x0, s20;
	[sflag:s22] =	ssyncset.done $0x0  }
0xa0: {  	[sflag:s22] =	ssyncadd.s32 s4;
	_ =	sdelay $0x1  }
0xa1: {  	s23 =	simm.s32 $0x1B8B  }
0xa2: {  	_ =	swait.ge [sflag:s23], $0x1  }
0xa3: {  	[sflag:s23] =	ssyncset.done $0x0  }
0xa4: {  	s25 =	simm.s32 $0x1B8E;
	s24 =	sld [smem:$0x3FFE];
	[sflag:s23] =	ssyncadd.s32 $0xFFFFFFFF  }
0xa5: {  	s26 =	simm.s32 $execute0_lowered;
	[smem:$0x3FD2] =	sst s25  }
0xa6: {  	s5 =	sshll.u32 s26, $0x1;
	_ =	strace $0x80000049;
	[dreg:$0x1] =	wrdreg $0xFFFFFFFF  }
0xa7: {  	s28 =	simm.s32 $_size_execute0_lowered;
	s3 =	sadd.s32 s3, s5;
	[dreg:$0x0] =	wrdreg $0x0  }
0xa8: {  	s5 =	sshll.u32 s28, $0x1;
	[dreg:$0x2] =	wrdreg s3  }
0xa9: {  	[dreg:$0x3] =	wrdreg s5  }
0xaa: {  	[dreg:$0x4] =	wrdreg $0xC0  }
0xab: {  	_ =	task [dreg:s7], $0x5FFFF  }
0xac: {  	[dreg:$0x1] =	wrdreg $0xFFFFFFFF  }
0xad: {  	[dreg:$0x0] =	wrdreg $0x60  }
0xae: {  	[dreg:$0x2] =	wrdreg s24  }
0xaf: {  	[dreg:$0x3] =	wrdreg s2  }
0xb0: {  	[dreg:$0x4] =	wrdreg $0x9  }
0xb1: {  	_ =	task.clear_ibuf [dreg:s7], $0x5FFFF;
	_ =	strace $0x90000049  }
0xb2: {  	s29 =	simm.s32 $0x9;
	_ =	strace $0x8000004B  }
0xb3: {  	_ =	swait.ge [sflag:s29], $0x1  }
0xb4: {  	[sflag:s29] =	ssyncadd.s32 $0xFFFFFFFF  }
0xb5: {  	_ =	strace $0x9000004B  }
0xb6: {  	_ =	sfence  }
0xb7: {  	s30 =	sld [smem:$0x0];
	_ =	sdelay $0x2  }
0xb8: {  	s31 =	sshll.u32 s1, $0xD;
	s1 =	sshrl.u32 s1, $0x2  }
0xb9: {  	s3 =	sand.u32 $0x4000, s31;
	s1 =	sadd.s32 s1, s30  }
0xba: {  	s0 =	sor.u32 s3, s0;
	s1 =	sshll.u32 s1, $0x11  }
0xbb: {  	s0 =	sor.u32 s1, s0  }
0xbc: {  	s0 =	sadd.s32 $0x8F2B, s0  }
0xbd: {  	[sflag:s0] =	ssyncadd.remote.s32 $0x1  }
0xbe: {  	_ =	sfence.sel $0xFFFF  }
0xbf: {  	[dreg:$0x0] =	wrdreg $0xFFFFFFFF;
	(pc) =	sbr.abs _section_cstart, $3  }
0xc0: {  	[dreg:$0x1] =	wrdreg $0xFFFFFFFF  }
0xc1: {  	_ =	task.clear_ibuf [dreg:s7], $0x2FFFF;
	_ =	strace $0x9FFFFFFF  }
0xc2: {  	(tm) =	ssettm $0x7FFFFFFF  }
0xc3: {  	_ =	shalt  }
tec
execute0_lowered:
.L_overlay_start_1:
0x0: {  	(tag) =	ssettag $0x1  }
0x1: {  	s1 =	srdreg.scid  }
0x2: {  	s5 =	rddreg [dreg:$0x0];
	s0 =	stileid.u32  }
0x3: {  	s3 =	rddreg [dreg:$0x1];
	s2 =	simm.s32 $0x0;
	s15 =	simm.s32 $0x80  }
0x4: {  	s16 =	simm.s32 $0x900;
	s17 =	simm.s32 $0xD00;
	[smem:$0x7FF] =	sst s2  }
0x5: {  	s18 =	simm.s32 $0x1500;
	_ =	strace $0x8000004A;
	[dreg:$0x6] =	wrdreg s15  }
0x6: {  	s19 =	simm.s32 $0x1900;
	s21 =	simm.s32 $0x2100;
	[dreg:$0x7] =	wrdreg s16  }
0x7: {  	s22 =	simm.s32 $0x2500;
	s23 =	simm.s32 $0x2D00;
	[dreg:$0x8] =	wrdreg s17  }
0x8: {  	s24 =	simm.s32 $0x3100;
	s25 =	simm.s32 $0x3900;
	[dreg:$0x9] =	wrdreg s18  }
0x9: {  	s26 =	simm.s32 $0x3D00;
	s10 =	simm.s32 $0x4900;
	[dreg:$0xa] =	wrdreg s19  }
0xa: {  	s11 =	simm.s32 $0x5100;
	s12 =	simm.s32 $0x5500;
	[dreg:$0xb] =	wrdreg s21  }
0xb: {  	s13 =	simm.s32 $0x5D00;
	s28 =	simm.s32 $0xB100;
	[dreg:$0xc] =	wrdreg s22  }
0xc: {  	s29 =	simm.s32 $0xB500;
	s30 =	simm.s32 $0xBD00;
	[dreg:$0xd] =	wrdreg s23  }
0xd: {  	s31 =	simm.s32 $0x1;
	s1 =	sand.u32 $0x1, s1;
	[dreg:$0xe] =	wrdreg s24  }
0xe: {  	s4 =	sshll.u32 s0, $0x7;
	s14 =	sadd.s32 $0x1800, s5;
	[dreg:$0xf] =	wrdreg s25  }
0xf: {  	s6 =	sshll.u32 s1, $0x6;
	s1 =	ssub.s32 $0x2, s1;
	[dreg:$0x10] =	wrdreg s26  }
0x10: {  	s15 =	simm.s32 $0x6900;
	s16 =	simm.s32 $0x6D00;
	s17 =	simm.s32 $0x7500  }
0x11: {  	s18 =	simm.s32 $0x7900;
	s19 =	simm.s32 $0x8100;
	s21 =	simm.s32 $0x8D00  }
0x12: {  	s22 =	simm.s32 $0x9100;
	s23 =	simm.s32 $0x9900;
	s24 =	simm.s32 $0x9D00  }
0x13: {  	s25 =	simm.s32 $0xA500;
	s26 =	simm.s32 $0xA900;
	s4 =	sor.u32 s6, s4  }
0x14: {  	s20 =	sshrl.u32 s1, $0x1;
	s7 =	sshll.u32 s4, $0x1;
	s4 =	sshrl.u32 s4, $0x3  }
0x15: {  	s1 =	ssub.s32 s1, s20;
	s20 =	simm.s32 $0x8500;
	s8 =	sand.u32 $0xF00, s7  }
0x16: {  	s4 =	smul.u32 $0xC00, s4;
	s8 =	sor.u32 s6, s8;
	s6 =	sor.u32 s6, s7  }
0x17: {  	s7 =	simm.s32 $0x3;
	s8 =	sshrl.u32 s8, $0x3;
	s6 =	sshrl.u32 s6, $0x3  }
0x18: {  	s4 =	sshrl.u32 s4, $0x3;
	s8 =	sadd.s32 s14, s8;
	s6 =	sor.u32 $0x10, s6  }
0x19: {  	s3 =	sadd.s32 s3, s4;
	[dreg:$0x3] =	wrdreg s8;
	s6 =	sadd.s32 s14, s6  }
0x1a: {  	v2 =	vlaneseq.u32;
	s4 =	sadd.s32 $0x18000, s3;
	s8 =	simm.s32 $0x100;
	[dreg:$0x4] =	wrdreg s6  }
0x1b: {  	vm0 =	vmmov $0xffff;
	vm1 =	vmmov $0xff;
	v1 =	vshrl.u32 v2, $0x3;
	s14 =	simm.s32 $0x6100;
	[dreg:$0x5] =	wrdreg s4;
	s4 =	sadd.s32 $0x1A00, s5  }
0x1c: {  	v0 =	vand.u32 $0x7, v2;
	v2 =	vor.u32 $0x8, v2;
	v1 =	vmul.u32 $0x8, v1;
	s5 =	sadd.s32 $0x1B00, s5;
	s6 =	smax.u32 s1, $0x1;
	s1 =	simm.s32 $0x2  }
.LBB2_1:
0x1d: {  	s0 =	rddreg [dreg:$0x3]  }
0x1e: {  	[tilespmem:s2], [sflag:$0x3] =	stream.linear.gather [hbm4b:s0+s2], $0x40, $0x38;
	[tilespmem:$0xC100] =	vst v63  }
0x1f: {  	_ =	swait.ge [sflag:s7], $0x40  }
0x20: {  	s0 =	rddreg [dreg:$0x4];
	[sflag:s7] =	ssyncset.done $0x0  }
0x21: {  	s9 =	rddreg [dreg:$0x6];
	[sflag:s7] =	ssyncadd.s32 $0xFFFFFFC0  }
0x22: {  	[tilespmem:s9], [sflag:$0x3] =	stream.linear.gather [hbm4b:s0+s2], $0x40, $0x38;
	[tilespmem:$0xC100] =	vst v63  }
0x23: {  	_ =	swait.ge [sflag:s7], $0x40  }
0x24: {  	[sflag:s7] =	ssyncset.done $0x0  }
0x25: {  	[sflag:s7] =	ssyncadd.s32 $0xFFFFFFC0  }
0x26: {  	v3 =	vld [tilespmem:$0x0];
	_ =	sdelay $0x4  }
0x27: {  	v4 =	vshrl.u32 v3, $0x3  }
0x28: {  	v4 =	vmul.u32 $0x18, v4  }
0x29: {  	v3 =	vand.u32 $0x7, v3  }
0x2a: {  	v3 =	vor.u32 v3, v4  }
0x2b: {  	v4 =	vperm.xlane v3, v0;
	_ =	sdelay $0x1  }
0x2c: {  	v4 =	vadd.s32 v1, v4;
	_ =	sdelay $0x1  }
0x2d: {  	v3 =	vperm.xlane v3, v2;
	_ =	sdelay $0x1  }
0x2e: {  	v3 =	vadd.s32 v1, v3  }
0x2f: {  	[tilespmem:s8], [sflag:$0x1] =	stream.indirect_vreg.gather [hbm4b:s4+s2], $0x80, v4, vm0, $0xb8;
	[tilespmem:$0xC100] =	vst v63  }
0x30: {  	s0 =	rddreg [dreg:$0x7]  }
0x31: {  	[tilespmem:s0], [sflag:$0x1] =	stream.indirect_vreg.gather [hbm4b:s5+s2], $0x80, v4, vm1, $0xb8;
	[tilespmem:$0xC100] =	vst v63  }
0x32: {  	s9 =	rddreg [dreg:$0x8]  }
0x33: {  	[tilespmem:s9], [sflag:$0x1] =	stream.indirect_vreg.gather [hbm4b:s4+s2], $0x80, v3, vm0, $0xb8;
	[tilespmem:$0xC100] =	vst v63  }
0x34: {  	s0 =	rddreg [dreg:$0x9]  }
0x35: {  	[tilespmem:s0], [sflag:$0x1] =	stream.indirect_vreg.gather [hbm4b:s5+s2], $0x80, v3, vm1, $0xb8;
	[tilespmem:$0xC100] =	vst v63  }
0x36: {  	v3 =	vld [tilespmem:$0x10];
	_ =	sdelay $0x4  }
0x37: {  	v57 =	vshrl.u32 v3, $0x3  }
0x38: {  	v4 =	vmul.u32 $0x18, v57  }
0x39: {  	v3 =	vand.u32 $0x7, v3  }
0x3a: {  	v3 =	vor.u32 v3, v4  }
0x3b: {  	v4 =	vperm.xlane v3, v0;
	_ =	sdelay $0x1  }
0x3c: {  	v4 =	vadd.s32 v1, v4;
	_ =	sdelay $0x1  }
0x3d: {  	v3 =	vperm.xlane v3, v2;
	_ =	sdelay $0x1  }
0x3e: {  	s0 =	rddreg [dreg:$0xa];
	v3 =	vadd.s32 v1, v3  }
0x3f: {  	[tilespmem:s0], [sflag:$0x1] =	stream.indirect_vreg.gather [hbm4b:s4+s2], $0x80, v4, vm0, $0xb8;
	[tilespmem:$0xC100] =	vst v63  }
0x40: {  	s9 =	rddreg [dreg:$0xb]  }
0x41: {  	[tilespmem:s9], [sflag:$0x1] =	stream.indirect_vreg.gather [hbm4b:s5+s2], $0x80, v4, vm1, $0xb8;
	[tilespmem:$0xC100] =	vst v63  }
0x42: {  	s0 =	rddreg [dreg:$0xc]  }
0x43: {  	[tilespmem:s0], [sflag:$0x1] =	stream.indirect_vreg.gather [hbm4b:s4+s2], $0x80, v3, vm0, $0xb8;
	[tilespmem:$0xC100] =	vst v63  }
0x44: {  	s9 =	rddreg [dreg:$0xd]  }
0x45: {  	[tilespmem:s9], [sflag:$0x1] =	stream.indirect_vreg.gather [hbm4b:s5+s2], $0x80, v3, vm1, $0xb8;
	[tilespmem:$0xC100] =	vst v63  }
0x46: {  	v3 =	vld [tilespmem:$0x20];
	_ =	sdelay $0x4  }
0x47: {  	v58 =	vshrl.u32 v3, $0x3  }
0x48: {  	v4 =	vmul.u32 $0x18, v58  }
0x49: {  	v3 =	vand.u32 $0x7, v3  }
0x4a: {  	v3 =	vor.u32 v3, v4  }
0x4b: {  	v4 =	vperm.xlane v3, v0;
	_ =	sdelay $0x1  }
0x4c: {  	v4 =	vadd.s32 v1, v4;
	_ =	sdelay $0x1  }
0x4d: {  	v3 =	vperm.xlane v3, v2;
	_ =	sdelay $0x1  }
0x4e: {  	s0 =	rddreg [dreg:$0xe];
	v3 =	vadd.s32 v1, v3  }
0x4f: {  	[tilespmem:s0], [sflag:$0x1] =	stream.indirect_vreg.gather [hbm4b:s4+s2], $0x80, v4, vm0, $0xb8;
	[tilespmem:$0xC100] =	vst v63  }
0x50: {  	s9 =	rddreg [dreg:$0xf]  }
0x51: {  	[tilespmem:s9], [sflag:$0x1] =	stream.indirect_vreg.gather [hbm4b:s5+s2], $0x80, v4, vm1, $0xb8;
	[tilespmem:$0xC100] =	vst v63  }
0x52: {  	s0 =	rddreg [dreg:$0x10]  }
0x53: {  	[tilespmem:s0], [sflag:$0x1] =	stream.indirect_vreg.gather [hbm4b:s4+s2], $0x80, v3, vm0, $0xb8;
	[tilespmem:$0xC100] =	vst v63  }
0x54: {  	s9 =	simm.s32 $0x4500  }
0x55: {  	[tilespmem:s9], [sflag:$0x1] =	stream.indirect_vreg.gather [hbm4b:s5+s2], $0x80, v3, vm1, $0xb8;
	[tilespmem:$0xC100] =	vst v63  }
0x56: {  	v3 =	vld [tilespmem:$0x30];
	_ =	sdelay $0x4  }
0x57: {  	v59 =	vshrl.u32 v3, $0x3  }
0x58: {  	v4 =	vmul.u32 $0x18, v59  }
0x59: {  	v3 =	vand.u32 $0x7, v3  }
0x5a: {  	v3 =	vor.u32 v3, v4  }
0x5b: {  	v4 =	vperm.xlane v3, v0;
	_ =	sdelay $0x1  }
0x5c: {  	v4 =	vadd.s32 v1, v4;
	_ =	sdelay $0x1  }
0x5d: {  	v3 =	vperm.xlane v3, v2;
	_ =	sdelay $0x1  }
0x5e: {  	v3 =	vadd.s32 v1, v3  }
0x5f: {  	[tilespmem:s10], [sflag:$0x1] =	stream.indirect_vreg.gather [hbm4b:s4+s2], $0x80, v4, vm0, $0xb8;
	[tilespmem:$0xC100] =	vst v63  }
0x60: {  	_ = 	snop  }
0x61: {  	[tilespmem:s11], [sflag:$0x1] =	stream.indirect_vreg.gather [hbm4b:s5+s2], $0x80, v4, vm1, $0xb8;
	[tilespmem:$0xC100] =	vst v63  }
0x62: {  	_ = 	snop  }
0x63: {  	[tilespmem:s12], [sflag:$0x1] =	stream.indirect_vreg.gather [hbm4b:s4+s2], $0x80, v3, vm0, $0xb8;
	[tilespmem:$0xC100] =	vst v63  }
0x64: {  	_ = 	snop  }
0x65: {  	[tilespmem:s13], [sflag:$0x1] =	stream.indirect_vreg.gather [hbm4b:s5+s2], $0x80, v3, vm1, $0xb8;
	[tilespmem:$0xC100] =	vst v63  }
0x66: {  	v3 =	vld [tilespmem:$0x80];
	_ =	sdelay $0x4  }
0x67: {  	v60 =	vshrl.u32 v3, $0x3  }
0x68: {  	v4 =	vmul.u32 $0x18, v60  }
0x69: {  	v3 =	vand.u32 $0x7, v3  }
0x6a: {  	v3 =	vor.u32 v3, v4  }
0x6b: {  	v4 =	vperm.xlane v3, v0;
	_ =	sdelay $0x1  }
0x6c: {  	v4 =	vadd.s32 v1, v4;
	_ =	sdelay $0x1  }
0x6d: {  	v3 =	vperm.xlane v3, v2;
	_ =	sdelay $0x1  }
0x6e: {  	v3 =	vadd.s32 v1, v3  }
0x6f: {  	[tilespmem:s14], [sflag:$0x2] =	stream.indirect_vreg.gather [hbm4b:s4+s2], $0x80, v4, vm0, $0xb8;
	[tilespmem:$0xC100] =	vst v63  }
0x70: {  	_ = 	snop  }
0x71: {  	[tilespmem:s15], [sflag:$0x2] =	stream.indirect_vreg.gather [hbm4b:s5+s2], $0x80, v4, vm1, $0xb8;
	[tilespmem:$0xC100] =	vst v63  }
0x72: {  	_ = 	snop  }
0x73: {  	[tilespmem:s16], [sflag:$0x2] =	stream.indirect_vreg.gather [hbm4b:s4+s2], $0x80, v3, vm0, $0xb8;
	[tilespmem:$0xC100] =	vst v63  }
0x74: {  	_ = 	snop  }
0x75: {  	[tilespmem:s17], [sflag:$0x2] =	stream.indirect_vreg.gather [hbm4b:s5+s2], $0x80, v3, vm1, $0xb8;
	[tilespmem:$0xC100] =	vst v63  }
0x76: {  	v3 =	vld [tilespmem:$0x90];
	_ =	sdelay $0x4  }
0x77: {  	v61 =	vshrl.u32 v3, $0x3  }
0x78: {  	v4 =	vmul.u32 $0x18, v61  }
0x79: {  	v3 =	vand.u32 $0x7, v3  }
0x7a: {  	v3 =	vor.u32 v3, v4  }
0x7b: {  	v4 =	vperm.xlane v3, v0;
	_ =	sdelay $0x1  }
0x7c: {  	v4 =	vadd.s32 v1, v4;
	_ =	sdelay $0x1  }
0x7d: {  	v3 =	vperm.xlane v3, v2;
	_ =	sdelay $0x1  }
0x7e: {  	v3 =	vadd.s32 v1, v3  }
0x7f: {  	[tilespmem:s18], [sflag:$0x2] =	stream.indirect_vreg.gather [hbm4b:s4+s2], $0x80, v4, vm0, $0xb8;
	[tilespmem:$0xC100] =	vst v63  }
0x80: {  	_ = 	snop  }
0x81: {  	[tilespmem:s19], [sflag:$0x2] =	stream.indirect_vreg.gather [hbm4b:s5+s2], $0x80, v4, vm1, $0xb8;
	[tilespmem:$0xC100] =	vst v63  }
0x82: {  	_ = 	snop  }
0x83: {  	[tilespmem:s20], [sflag:$0x2] =	stream.indirect_vreg.gather [hbm4b:s4+s2], $0x80, v3, vm0, $0xb8;
	[tilespmem:$0xC100] =	vst v63  }
0x84: {  	_ = 	snop  }
0x85: {  	[tilespmem:s21], [sflag:$0x2] =	stream.indirect_vreg.gather [hbm4b:s5+s2], $0x80, v3, vm1, $0xb8;
	[tilespmem:$0xC100] =	vst v63  }
0x86: {  	v3 =	vld [tilespmem:$0xA0];
	_ =	sdelay $0x4  }
0x87: {  	v62 =	vshrl.u32 v3, $0x3  }
0x88: {  	v4 =	vmul.u32 $0x18, v62  }
0x89: {  	v3 =	vand.u32 $0x7, v3  }
0x8a: {  	v3 =	vor.u32 v3, v4  }
0x8b: {  	v4 =	vperm.xlane v3, v0;
	_ =	sdelay $0x1  }
0x8c: {  	v4 =	vadd.s32 v1, v4;
	_ =	sdelay $0x1  }
0x8d: {  	v3 =	vperm.xlane v3, v2;
	_ =	sdelay $0x1  }
0x8e: {  	v3 =	vadd.s32 v1, v3  }
0x8f: {  	[tilespmem:s22], [sflag:$0x2] =	stream.indirect_vreg.gather [hbm4b:s4+s2], $0x80, v4, vm0, $0xb8;
	[tilespmem:$0xC100] =	vst v63  }
0x90: {  	_ = 	snop  }
0x91: {  	[tilespmem:s23], [sflag:$0x2] =	stream.indirect_vreg.gather [hbm4b:s5+s2], $0x80, v4, vm1, $0xb8;
	[tilespmem:$0xC100] =	vst v63  }
0x92: {  	_ = 	snop  }
0x93: {  	[tilespmem:s24], [sflag:$0x2] =	stream.indirect_vreg.gather [hbm4b:s4+s2], $0x80, v3, vm0, $0xb8;
	[tilespmem:$0xC100] =	vst v63  }
0x94: {  	_ = 	snop  }
0x95: {  	[tilespmem:s25], [sflag:$0x2] =	stream.indirect_vreg.gather [hbm4b:s5+s2], $0x80, v3, vm1, $0xb8;
	[tilespmem:$0xC100] =	vst v63  }
0x96: {  	v3 =	vld [tilespmem:$0xB0];
	_ =	sdelay $0x4  }
0x97: {  	v63 =	vshrl.u32 v3, $0x3  }
0x98: {  	v4 =	vmul.u32 $0x18, v63  }
0x99: {  	v3 =	vand.u32 $0x7, v3  }
0x9a: {  	v3 =	vor.u32 v3, v4  }
0x9b: {  	v4 =	vperm.xlane v3, v0;
	_ =	sdelay $0x1  }
0x9c: {  	v4 =	vadd.s32 v1, v4;
	_ =	sdelay $0x1  }
0x9d: {  	v3 =	vperm.xlane v3, v2;
	_ =	sdelay $0x1  }
0x9e: {  	v3 =	vadd.s32 v1, v3  }
0x9f: {  	[tilespmem:s26], [sflag:$0x2] =	stream.indirect_vreg.gather [hbm4b:s4+s2], $0x80, v4, vm0, $0xb8;
	[tilespmem:$0xC100] =	vst v63  }
0xa0: {  	_ = 	snop  }
0xa1: {  	[tilespmem:s28], [sflag:$0x2] =	stream.indirect_vreg.gather [hbm4b:s5+s2], $0x80, v4, vm1, $0xb8;
	[tilespmem:$0xC100] =	vst v63  }
0xa2: {  	_ = 	snop  }
0xa3: {  	[tilespmem:s29], [sflag:$0x2] =	stream.indirect_vreg.gather [hbm4b:s4+s2], $0x80, v3, vm0, $0xb8;
	[tilespmem:$0xC100] =	vst v63  }
0xa4: {  	_ = 	snop  }
0xa5: {  	[tilespmem:s30], [sflag:$0x2] =	stream.indirect_vreg.gather [hbm4b:s5+s2], $0x80, v3, vm1, $0xb8;
	[tilespmem:$0xC100] =	vst v63  }
0xa6: {  	_ =	swait.ge [sflag:s31], $0x6000  }
0xa7: {  	[sflag:s31] =	ssyncset.done $0x0  }
0xa8: {  	[sflag:s31] =	ssyncadd.s32 $0xFFFFA000  }
0xa9: {  	[hbm4b:s3+s2] =	stream.linear.scatter [tilespmem:s8], [sflag:$0x3], $0x6000, $0x38;
	[tilespmem:$0xC100] =	vst v63  }
0xaa: {  	_ =	swait.ge [sflag:s7], $0x6000  }
0xab: {  	[sflag:s7] =	ssyncset.done $0x0  }
0xac: {  	[sflag:s7] =	ssyncadd.s32 $0xFFFFA000  }
0xad: {  	_ =	swait.ge [sflag:s1], $0x6000  }
0xae: {  	p0 =	sne.s32 s6, $0x1;
	[sflag:s1] =	ssyncset.done $0x0  }
.Ltmp0:
0xaf: {  	s9 =	rddreg [dreg:$0x5];
	[sflag:s1] =	ssyncadd.s32 $0xFFFFA000;
	(pc) =	sbr.rel @p0 .LBB2_1-.Ltmp0, $4  }
0xb0: {  	[hbm4b:s9+s2] =	stream.linear.scatter [tilespmem:s14], [sflag:$0x3], $0x6000, $0x38;
	[tilespmem:$0xC100] =	vst v63  }
0xb1: {  	_ =	swait.ge [sflag:s7], $0x6000  }
0xb2: {  	[sflag:s7] =	ssyncset.done $0x0  }
0xb3: {  	s6 =	sadd.s32 $0xFFFFFFFF, s6;
	[sflag:s7] =	ssyncadd.s32 $0xFFFFA000  }
0xb4: {  	_ =	sfence.sel $0x180000  }
0xb5: {  	[bflag:$0x0] =	sbarrier.arrive $0xFFFF  }
0xb6: {  	_ =	strace $0x9000004A  }
0xb7: {  	s0 =	stileid.u32;
	[bflag:$0x2] =	sbarrier.arrive $0xFFFF  }
0xb8: {  	p0 =	sne.s32 s0, $0x0;
	s0 =	rddreg [dreg:$0x2]  }
0xb9: {  	s0 =	sadd.s32 @!p0 $0x100000, s0  }
0xba: {  	[sflag:s0] =	ssyncadd.tile.s32 @!p0 $0x1;
	_ =	shalt  }
.Lfunc_end2:
_tile_overlayer_lowered:
.L_overlay_start_2:
0xbb: {  	(tag) =	ssettag $0x2  }
0xbc: {  	s0 =	rddreg [dreg:$0x0];
	s2 =	stileid.u32  }
0xbd: {  	s1 =	rddreg [dreg:$0x1];
	p0 =	sne.s32 s2, $0x0  }
0xbe: {  	s3 =	rddreg [dreg:$0x2];
	[bflag:$0x3] =	sbarrier.arrive $0xFFFF;
	s2 =	simm.s32 @!p0 $0x1C03  }
0xbf: {  	[timem:s3], [sflag:s2] =	dma.local @!p0 [hbm:s0], s1  }
0xc0: {  	s0 =	simm.s32 @!p0 $0x3  }
0xc1: {  	_ =	swait.ge @!p0 [sflag:s0], s1  }
0xc2: {  	s1 =	ssub.s32 @!p0 $0x0, s1;
	[sflag:s0] =	ssyncset.done @!p0 $0x0  }
0xc3: {  	[sflag:s0] =	ssyncadd.s32 @!p0 s1  }
0xc4: {  	[bflag:$0x3] =	sbarrier.arrive $0xFFFF  }
0xc5: {  	_ =	shalt  }

// kernel: kernel.7.cloned.1.call-start
scs
__scs_entry_jumppad:
0x0: {  	(pc) =	sbr.rel $0x88, $3  }
0x1: {  	(tag) =	ssettag $0x0;
	lr =	simm.s32 $0x1  }
0x2: {  	[smem:$0x3F9C] =	sst lr;
	_ =	strace $0xD0000000  }
0x3: {  	_ = 	snop  }
0x4: {  	_ = 	snop  }
0x5: {  	_ = 	snop  }
0x6: {  	_ = 	snop  }
0x7: {  	_ = 	snop  }
__scs_overlays_trampoline_lowered:
0x8: {  	[smem:$0x3FAB] =	sst s0  }
0x9: {  	[smem:$0x3FAC] =	sst s1  }
0xa: {  	[smem:$0x3FAD] =	sst s2  }
0xb: {  	[smem:$0x3FAE] =	sst s3  }
0xc: {  	[smem:$0x3FAF] =	sst s4  }
0xd: {  	[smem:$0x3FB0] =	sst s5  }
0xe: {  	[smem:$0x3FB1] =	sst s6  }
0xf: {  	[smem:$0x3FB2] =	sst s7  }
0x10: {  	[smem:$0x3FB3] =	sst s8  }
0x11: {  	[smem:$0x3FB4] =	sst s9;
	s0 =	simm.s32 @!p0 $0x0  }
0x12: {  	s1 =	sld [smem:$0x3F9A];
	s0 =	simm.s32 @p0 $0x1  }
0x13: {  	[smem:$0x3FB5] =	sst s0;
	s0 =	simm.s32 @!p1 $0x0  }
0x14: {  	s2 =	sld [smem:$0x3F99];
	s0 =	simm.s32 @p1 $0x1  }
0x15: {  	[smem:$0x3FB6] =	sst s0;
	s0 =	simm.s32 @!p2 $0x0  }
0x16: {  	s3 =	sld [smem:$0x3FDB];
	s0 =	simm.s32 @p2 $0x1  }
0x17: {  	s4 =	simm.s32 $0x1BF5;
	[smem:$0x3FB8] =	sst s0  }
0x18: {  	s0 =	sld [smem:$0x3F9B];
	_ =	swait.ge [sflag:s4], $0x0  }
0x19: {  	s7 =	sld [smem:$0x3F9C]  }
0x1a: {  	s8 =	sadd.s32 $0xFFFFE003, lr  }
0x1b: {  	s9 =	sadd.s32 $0xFFFFFEF7, lr;
	s5 =	simm.s32 $0xFFFFFFFF;
	p2 =	slt.u32 s8, $0xFFFFF086  }
0x1c: {  	p1 =	slt.u32 s9, $0xF7A;
	s5 =	simm.s32 @!p2 $0x0  }
0x1d: {  	s5 =	simm.s32 @p1 $0x1;
	p0 =	seq.s32 s7, s2  }
0x1e: {  	s7 =	smul.u32 @!p0 $0xF7A, s2;
	p2 =	seq.s32 @!p0 s5, $0x0  }
0x1f: {  	s9 =	smul.u32 $0xF7A, s1;
	s8 =	simm.s32 @!p0 $0x1BF5;
	p2 =	por !p2, p0  }
0x20: {  	[sflag:s8] =	ssyncset.s32 @!p0 $0xFFFFF086;
	s6 =	sadd.s32 @!p0 s3, s7;
	s7 =	simm.s32 @!p0 $0x108  }
0x21: {  	s3 =	sadd.s32 s3, s9;
	s6 =	sadd.s32 @!p0 $0x88, s6;
	s7 =	simm.s32 @p2 $0x1082  }
0x22: {  	[simem:s7], [sflag:s8] =	dma.local @!p0 [hbm:s6], $0xF7A  }
0x23: {  	s9 =	sor.u32 $0xD0000000, s2;
	s6 =	simm.s32 $0x108;
	_ =	swait.ge @!p0 [sflag:s8], $0x0  }
0x24: {  	s3 =	sadd.s32 $0x88, s3;
	s6 =	simm.s32 @!p1 $0x1082;
	[sflag:s4] =	ssyncset.s32 $0xFFFFF086  }
0x25: {  	[simem:s6], [sflag:s4] =	dma.local [hbm:s3], $0xF7A  }
0x26: {  	[smem:$0x3F9C] =	sst s1;
	(tag) =	ssettag s2;
	_ =	strace s9  }
0x27: {  	s1 =	sld [smem:$0x3FAC]  }
0x28: {  	s2 =	sld [smem:$0x3FAD]  }
0x29: {  	s4 =	sld [smem:$0x3FAF]  }
0x2a: {  	p0 =	seq.s32 s5, $0x0;
	s5 =	sld [smem:$0x3FB0]  }
0x2b: {  	s6 =	sld [smem:$0x3FB1]  }
0x2c: {  	s7 =	sld [smem:$0x3FB2]  }
0x2d: {  	s3 =	simm.s32 $0x108;
	s8 =	sld [smem:$0x3FB3]  }
0x2e: {  	s3 =	simm.s32 @!p0 $0x1082;
	s9 =	sld [smem:$0x3FB4]  }
0x2f: {  	lr =	sadd.s32 s0, s3;
	s0 =	sld [smem:$0x3FAB]  }
0x30: {  	s3 =	sld [smem:$0x3FAE]  }
0x31: {  	[smem:$0x3FB7] =	sst s10  }
0x32: {  	s10 =	sld [smem:$0x3FB5];
	_ =	sdelay $0x3  }
0x33: {  	p0 =	seq.s32 s10, $0x1;
	s10 =	sld [smem:$0x3FB7];
	_ =	sdelay $0x3  }
0x34: {  	[smem:$0x3FB7] =	sst s10  }
0x35: {  	s10 =	sld [smem:$0x3FB6];
	_ =	sdelay $0x3  }
0x36: {  	p1 =	seq.s32 s10, $0x1;
	s10 =	sld [smem:$0x3FB7];
	_ =	sdelay $0x3  }
0x37: {  	[smem:$0x3FB7] =	sst s10  }
0x38: {  	s10 =	sld [smem:$0x3FB8]  }
0x39: {  	_ = 	snop;
	(pc) =	sbr.ind lr, $3  }
0x3a: {  	_ = 	snop  }
0x3b: {  	_ = 	snop  }
0x3c: {  	p2 =	seq.s32 s10, $0x1;
	s10 =	sld [smem:$0x3FB7]  }
0x3d: {  	_ =	shalt  }
0x3e: {  	_ =	shalt  }
0x3f: {  	_ =	shalt  }
0x40: {  	_ =	shalt  }
0x41: {  	_ =	shalt  }
0x42: {  	_ =	shalt  }
0x43: {  	_ =	shalt  }
0x44: {  	_ =	shalt  }
0x45: {  	_ =	shalt  }
0x46: {  	_ =	shalt  }
0x47: {  	_ =	shalt  }
0x48: {  	_ =	shalt  }
0x49: {  	_ =	shalt  }
0x4a: {  	_ =	shalt  }
0x4b: {  	_ =	shalt  }
0x4c: {  	_ =	shalt  }
0x4d: {  	_ =	shalt  }
0x4e: {  	_ =	shalt  }
0x4f: {  	_ =	shalt  }
0x50: {  	_ =	shalt  }
0x51: {  	_ =	shalt  }
0x52: {  	_ =	shalt  }
0x53: {  	_ =	shalt  }
0x54: {  	_ =	shalt  }
0x55: {  	_ =	shalt  }
0x56: {  	_ =	shalt  }
0x57: {  	_ =	shalt  }
0x58: {  	_ =	shalt  }
0x59: {  	_ =	shalt  }
0x5a: {  	_ =	shalt  }
0x5b: {  	_ =	shalt  }
0x5c: {  	_ =	shalt  }
0x5d: {  	_ =	shalt  }
0x5e: {  	_ =	shalt  }
0x5f: {  	_ =	shalt  }
0x60: {  	_ =	shalt  }
0x61: {  	_ =	shalt  }
0x62: {  	_ =	shalt  }
0x63: {  	_ =	shalt  }
0x64: {  	_ =	shalt  }
0x65: {  	_ =	shalt  }
0x66: {  	_ =	shalt  }
0x67: {  	_ =	shalt  }
0x68: {  	_ =	shalt  }
0x69: {  	_ =	shalt  }
0x6a: {  	_ =	shalt  }
0x6b: {  	_ =	shalt  }
0x6c: {  	_ =	shalt  }
0x6d: {  	_ =	shalt  }
0x6e: {  	_ =	shalt  }
0x6f: {  	_ =	shalt  }
0x70: {  	_ =	shalt  }
0x71: {  	_ =	shalt  }
0x72: {  	_ =	shalt  }
0x73: {  	_ =	shalt  }
0x74: {  	_ =	shalt  }
0x75: {  	_ =	shalt  }
0x76: {  	_ =	shalt  }
0x77: {  	_ =	shalt  }
0x78: {  	_ =	shalt  }
0x79: {  	_ =	shalt  }
0x7a: {  	_ =	shalt  }
0x7b: {  	_ =	shalt  }
0x7c: {  	_ =	shalt  }
0x7d: {  	_ =	shalt  }
0x7e: {  	_ =	shalt  }
0x7f: {  	_ =	shalt  }
0x80: {  	_ =	shalt  }
0x81: {  	_ =	shalt  }
0x82: {  	_ =	shalt  }
0x83: {  	_ =	shalt  }
0x84: {  	_ =	shalt  }
0x85: {  	_ =	shalt  }
0x86: {  	_ =	shalt  }
0x87: {  	_ =	shalt  }
.Lfunc_end0:
.L_simem_size_0:
called_computation_lowered:
.L_overlay_start_0:
0x88: {  	s2 =	sld [smem:$0x3FD9]  }
0x89: {  	s3 =	sld [smem:$0x3FFE];
	_ =	sdelay $0x1  }
0x8a: {  	s1 =	srdreg.scid  }
0x8b: {  	s0 =	sand.u32 $0x1, s1  }
0x8c: {  	s17 =	sshll.u32 s0, $0xA;
	s2 =	sadd.s32 s3, s2  }
0x8d: {  	s2 =	sadd.s32 s2, s17  }
0x8e: {  	[smem:$0x3FC3] =	sst s2  }
0x8f: {  	_ = 	snop  }
0x90: {  	s2 =	sld [smem:$0x3FD0];
	(tm) =	ssettm $0x1  }
0x91: {  	s18 =	sld [smem:$0x3FFB];
	_ =	sdelay $0x3  }
0x92: {  	_ =	strace s18  }
0x93: {  	s3 =	sld [smem:$0x3FFC];
	_ =	sdelay $0x3  }
0x94: {  	_ =	strace s3  }
0x95: {  	s3 =	sld [smem:$0x3FFD];
	_ =	sdelay $0x3  }
0x96: {  	_ =	strace s3  }
0x97: {  	_ =	strace $0x8FFFFFFF  }
0x98: {  	s19 =	sld [smem:$0x3FDB];
	_ =	sdelay $0x1  }
0x99: {  	s4 =	simm.s32 $_scs_section_size  }
0x9a: {  	s5 =	simm.s32 $_size__tile_overlayer_lowered;
	s6 =	simm.s32 $_tile_overlayer_lowered  }
0x9b: {  	s22 =	simm.s32 $0x1BFF;
	s21 =	sshll.u32 s6, $0x1;
	s3 =	sadd.s32 s4, s19  }
0x9c: {  	s7 =	simm.s32 $0x0;
	s20 =	sshll.u32 s5, $0x1;
	s5 =	sadd.s32 s21, s3  }
0x9d: {  	[timem:s7], [sflag:s22] =	dma.local [hbm:s5], s20  }
0x9e: {  	_ =	swait.ge [sflag:s22], s20  }
0x9f: {  	s4 =	ssub.s32 $0x0, s20;
	[sflag:s22] =	ssyncset.done $0x0  }
0xa0: {  	[sflag:s22] =	ssyncadd.s32 s4;
	_ =	sdelay $0x1  }
0xa1: {  	s23 =	simm.s32 $0x1B8B  }
0xa2: {  	_ =	swait.ge [sflag:s23], $0x1  }
0xa3: {  	[sflag:s23] =	ssyncset.done $0x0  }
0xa4: {  	s25 =	simm.s32 $0x1B8E;
	s24 =	sld [smem:$0x3FFE];
	[sflag:s23] =	ssyncadd.s32 $0xFFFFFFFF  }
0xa5: {  	s26 =	simm.s32 $execute0_lowered;
	[smem:$0x3FD2] =	sst s25  }
0xa6: {  	s5 =	sshll.u32 s26, $0x1;
	_ =	strace $0x80000046;
	[dreg:$0x1] =	wrdreg $0xFFFFFFFF  }
0xa7: {  	s28 =	simm.s32 $_size_execute0_lowered;
	s3 =	sadd.s32 s3, s5;
	[dreg:$0x0] =	wrdreg $0x0  }
0xa8: {  	s5 =	sshll.u32 s28, $0x1;
	[dreg:$0x2] =	wrdreg s3  }
0xa9: {  	[dreg:$0x3] =	wrdreg s5  }
0xaa: {  	[dreg:$0x4] =	wrdreg $0xC0  }
0xab: {  	_ =	task [dreg:s7], $0x5FFFF  }
0xac: {  	[dreg:$0x1] =	wrdreg $0xFFFFFFFF  }
0xad: {  	[dreg:$0x0] =	wrdreg $0x60  }
0xae: {  	[dreg:$0x2] =	wrdreg s2  }
0xaf: {  	[dreg:$0x3] =	wrdreg s24  }
0xb0: {  	[dreg:$0x4] =	wrdreg $0x9  }
0xb1: {  	_ =	task.clear_ibuf [dreg:s7], $0x5FFFF;
	_ =	strace $0x90000046  }
0xb2: {  	s29 =	simm.s32 $0x9;
	_ =	strace $0x80000048  }
0xb3: {  	_ =	swait.ge [sflag:s29], $0x1  }
0xb4: {  	[sflag:s29] =	ssyncadd.s32 $0xFFFFFFFF  }
0xb5: {  	_ =	strace $0x90000048  }
0xb6: {  	_ =	sfence  }
0xb7: {  	s30 =	sld [smem:$0x0];
	_ =	sdelay $0x2  }
0xb8: {  	s31 =	sshll.u32 s1, $0xD;
	s1 =	sshrl.u32 s1, $0x2  }
0xb9: {  	s3 =	sand.u32 $0x4000, s31;
	s1 =	sadd.s32 s1, s30  }
0xba: {  	s0 =	sor.u32 s3, s0;
	s1 =	sshll.u32 s1, $0x11  }
0xbb: {  	s0 =	sor.u32 s1, s0  }
0xbc: {  	s0 =	sadd.s32 $0x8F2B, s0  }
0xbd: {  	[sflag:s0] =	ssyncadd.remote.s32 $0x1  }
0xbe: {  	_ =	sfence.sel $0xFFFF  }
0xbf: {  	[dreg:$0x0] =	wrdreg $0xFFFFFFFF;
	(pc) =	sbr.abs _section_cstart, $3  }
0xc0: {  	[dreg:$0x1] =	wrdreg $0xFFFFFFFF  }
0xc1: {  	_ =	task.clear_ibuf [dreg:s7], $0x2FFFF;
	_ =	strace $0x9FFFFFFF  }
0xc2: {  	(tm) =	ssettm $0x7FFFFFFF  }
0xc3: {  	_ =	shalt  }
tec
execute0_lowered:
.L_overlay_start_1:
0x0: {  	(tag) =	ssettag $0x1  }
0x1: {  	s6 =	rddreg [dreg:$0x0]  }
0x2: {  	s7 =	rddreg [dreg:$0x1]  }
0x3: {  	s0 =	rddreg [dreg:$0x2]  }
0x4: {  	s3 =	srdreg.scid;
	s2 =	simm.s32 $0x0;
	s1 =	stileid.u32  }
0x5: {  	s13 =	simm.s32 $0xD00;
	s14 =	simm.s32 $0x1500;
	s15 =	simm.s32 $0x1900  }
0x6: {  	s16 =	simm.s32 $0x2100;
	s17 =	simm.s32 $0x2500;
	s18 =	simm.s32 $0x2D00  }
0x7: {  	s19 =	simm.s32 $0x3100;
	s20 =	simm.s32 $0x3900;
	s21 =	simm.s32 $0x3D00  }
0x8: {  	s22 =	simm.s32 $0x4500;
	s23 =	simm.s32 $0x4900;
	s24 =	simm.s32 $0x5100  }
0x9: {  	s25 =	simm.s32 $0x5500;
	s26 =	simm.s32 $0x5D00;
	s28 =	simm.s32 $0x1  }
0xa: {  	s29 =	simm.s32 $0x2;
	s3 =	sand.u32 $0x1, s3;
	[smem:$0x7FF] =	sst s2  }
0xb: {  	s4 =	sshll.u32 s1, $0x7;
	s8 =	sadd.s32 $0x1800, s7;
	s5 =	sshll.u32 s3, $0x6  }
0xc: {  	_ =	strace $0x80000047;
	s9 =	ssub.s32 $0x2, s3;
	s3 =	sadd.s32 $0x1A00, s7  }
0xd: {  	s7 =	sadd.s32 $0x1B00, s7;
	s4 =	sor.u32 s5, s4;
	s11 =	sshrl.u32 s9, $0x1  }
0xe: {  	s10 =	sshll.u32 s4, $0x1;
	s4 =	sshrl.u32 s4, $0x3;
	s9 =	ssub.s32 s9, s11  }
0xf: {  	s11 =	simm.s32 $0x100;
	s12 =	sand.u32 $0xF00, s10;
	s31 =	smul.u32 $0x180, s4  }
0x10: {  	s12 =	sor.u32 s5, s12;
	s5 =	sor.u32 s5, s10;
	s10 =	simm.s32 $0x80  }
0x11: {  	v2 =	vlaneseq.u32;
	s30 =	sshrl.u32 s12, $0x3;
	s5 =	sshrl.u32 s5, $0x3;
	s6 =	sadd.s32 s6, s31  }
0x12: {  	vm0 =	vmmov $0xffff;
	vm1 =	vmmov $0xff;
	v1 =	vshrl.u32 v2, $0x3;
	s12 =	simm.s32 $0x900;
	s4 =	sadd.s32 s8, s30;
	s5 =	sor.u32 $0x10, s5  }
0x13: {  	v0 =	vand.u32 $0x7, v2;
	v2 =	vor.u32 $0x8, v2;
	v1 =	vmul.u32 $0x8, v1;
	s5 =	sadd.s32 s8, s5;
	s8 =	smax.u32 s9, $0x1;
	s9 =	simm.s32 $0x3  }
.LBB2_1:
0x14: {  	[tilespmem:s2], [sflag:$0x3] =	stream.linear.gather [hbm4b:s4+s2], $0x40, $0x38;
	[tilespmem:$0x6100] =	vst v63  }
0x15: {  	_ =	swait.ge [sflag:s9], $0x40  }
0x16: {  	[sflag:s9] =	ssyncset.done $0x0  }
0x17: {  	[sflag:s9] =	ssyncadd.s32 $0xFFFFFFC0  }
0x18: {  	[tilespmem:s10], [sflag:$0x3] =	stream.linear.gather [hbm4b:s5+s2], $0x40, $0x38;
	[tilespmem:$0x6100] =	vst v63  }
0x19: {  	_ =	swait.ge [sflag:s9], $0x40  }
0x1a: {  	[sflag:s9] =	ssyncset.done $0x0  }
0x1b: {  	[sflag:s9] =	ssyncadd.s32 $0xFFFFFFC0  }
0x1c: {  	[tilespmem:s11], [sflag:$0x3] =	stream.linear.gather [hbm4b:s6+s2], $0x6000, $0x38;
	[tilespmem:$0x6100] =	vst v63  }
0x1d: {  	_ =	swait.ge [sflag:s9], $0x6000  }
0x1e: {  	[sflag:s9] =	ssyncset.done $0x0  }
0x1f: {  	[sflag:s9] =	ssyncadd.s32 $0xFFFFA000  }
0x20: {  	v3 =	vld [tilespmem:$0x0];
	_ =	sdelay $0x4  }
0x21: {  	v4 =	vshrl.u32 v3, $0x3  }
0x22: {  	v4 =	vmul.u32 $0x18, v4  }
0x23: {  	v3 =	vand.u32 $0x7, v3  }
0x24: {  	v3 =	vor.u32 v3, v4  }
0x25: {  	v4 =	vperm.xlane v3, v0;
	_ =	sdelay $0x1  }
0x26: {  	v4 =	vadd.s32 v1, v4;
	_ =	sdelay $0x1  }
0x27: {  	v3 =	vperm.xlane v3, v2;
	_ =	sdelay $0x1  }
0x28: {  	v3 =	vadd.s32 v1, v3  }
0x29: {  	[hbm4b:s3+s2] =	stream.indirect_vreg.scatter [tilespmem:s11], [sflag:$0x1], $0x80, v4, vm0, $0xb8;
	[tilespmem:$0x6100] =	vst v63  }
0x2a: {  	_ = 	snop  }
0x2b: {  	[hbm4b:s7+s2] =	stream.indirect_vreg.scatter [tilespmem:s12], [sflag:$0x1], $0x80, v4, vm1, $0xb8;
	[tilespmem:$0x6100] =	vst v63  }
0x2c: {  	_ = 	snop  }
0x2d: {  	[hbm4b:s3+s2] =	stream.indirect_vreg.scatter [tilespmem:s13], [sflag:$0x1], $0x80, v3, vm0, $0xb8;
	[tilespmem:$0x6100] =	vst v63  }
0x2e: {  	_ = 	snop  }
0x2f: {  	[hbm4b:s7+s2] =	stream.indirect_vreg.scatter [tilespmem:s14], [sflag:$0x1], $0x80, v3, vm1, $0xb8;
	[tilespmem:$0x6100] =	vst v63  }
0x30: {  	v3 =	vld [tilespmem:$0x10];
	_ =	sdelay $0x4  }
0x31: {  	v57 =	vshrl.u32 v3, $0x3  }
0x32: {  	v4 =	vmul.u32 $0x18, v57  }
0x33: {  	v3 =	vand.u32 $0x7, v3  }
0x34: {  	v3 =	vor.u32 v3, v4  }
0x35: {  	v4 =	vperm.xlane v3, v0;
	_ =	sdelay $0x1  }
0x36: {  	v4 =	vadd.s32 v1, v4;
	_ =	sdelay $0x1  }
0x37: {  	v3 =	vperm.xlane v3, v2;
	_ =	sdelay $0x1  }
0x38: {  	v3 =	vadd.s32 v1, v3  }
0x39: {  	[hbm4b:s3+s2] =	stream.indirect_vreg.scatter [tilespmem:s15], [sflag:$0x1], $0x80, v4, vm0, $0xb8;
	[tilespmem:$0x6100] =	vst v63  }
0x3a: {  	_ = 	snop  }
0x3b: {  	[hbm4b:s7+s2] =	stream.indirect_vreg.scatter [tilespmem:s16], [sflag:$0x1], $0x80, v4, vm1, $0xb8;
	[tilespmem:$0x6100] =	vst v63  }
0x3c: {  	_ = 	snop  }
0x3d: {  	[hbm4b:s3+s2] =	stream.indirect_vreg.scatter [tilespmem:s17], [sflag:$0x1], $0x80, v3, vm0, $0xb8;
	[tilespmem:$0x6100] =	vst v63  }
0x3e: {  	_ = 	snop  }
0x3f: {  	[hbm4b:s7+s2] =	stream.indirect_vreg.scatter [tilespmem:s18], [sflag:$0x1], $0x80, v3, vm1, $0xb8;
	[tilespmem:$0x6100] =	vst v63  }
0x40: {  	v3 =	vld [tilespmem:$0x20];
	_ =	sdelay $0x4  }
0x41: {  	v58 =	vshrl.u32 v3, $0x3  }
0x42: {  	v4 =	vmul.u32 $0x18, v58  }
0x43: {  	v3 =	vand.u32 $0x7, v3  }
0x44: {  	v3 =	vor.u32 v3, v4  }
0x45: {  	v4 =	vperm.xlane v3, v0;
	_ =	sdelay $0x1  }
0x46: {  	v4 =	vadd.s32 v1, v4;
	_ =	sdelay $0x1  }
0x47: {  	v3 =	vperm.xlane v3, v2;
	_ =	sdelay $0x1  }
0x48: {  	v3 =	vadd.s32 v1, v3  }
0x49: {  	[hbm4b:s3+s2] =	stream.indirect_vreg.scatter [tilespmem:s19], [sflag:$0x1], $0x80, v4, vm0, $0xb8;
	[tilespmem:$0x6100] =	vst v63  }
0x4a: {  	_ = 	snop  }
0x4b: {  	[hbm4b:s7+s2] =	stream.indirect_vreg.scatter [tilespmem:s20], [sflag:$0x1], $0x80, v4, vm1, $0xb8;
	[tilespmem:$0x6100] =	vst v63  }
0x4c: {  	_ = 	snop  }
0x4d: {  	[hbm4b:s3+s2] =	stream.indirect_vreg.scatter [tilespmem:s21], [sflag:$0x1], $0x80, v3, vm0, $0xb8;
	[tilespmem:$0x6100] =	vst v63  }
0x4e: {  	_ = 	snop  }
0x4f: {  	[hbm4b:s7+s2] =	stream.indirect_vreg.scatter [tilespmem:s22], [sflag:$0x1], $0x80, v3, vm1, $0xb8;
	[tilespmem:$0x6100] =	vst v63  }
0x50: {  	v3 =	vld [tilespmem:$0x30];
	_ =	sdelay $0x4  }
0x51: {  	v59 =	vshrl.u32 v3, $0x3  }
0x52: {  	v4 =	vmul.u32 $0x18, v59  }
0x53: {  	v3 =	vand.u32 $0x7, v3  }
0x54: {  	v3 =	vor.u32 v3, v4  }
0x55: {  	v4 =	vperm.xlane v3, v0;
	_ =	sdelay $0x1  }
0x56: {  	v4 =	vadd.s32 v1, v4;
	_ =	sdelay $0x1  }
0x57: {  	v3 =	vperm.xlane v3, v2;
	_ =	sdelay $0x1  }
0x58: {  	v3 =	vadd.s32 v1, v3  }
0x59: {  	[hbm4b:s3+s2] =	stream.indirect_vreg.scatter [tilespmem:s23], [sflag:$0x1], $0x80, v4, vm0, $0xb8;
	[tilespmem:$0x6100] =	vst v63  }
0x5a: {  	_ = 	snop  }
0x5b: {  	[hbm4b:s7+s2] =	stream.indirect_vreg.scatter [tilespmem:s24], [sflag:$0x1], $0x80, v4, vm1, $0xb8;
	[tilespmem:$0x6100] =	vst v63  }
0x5c: {  	_ = 	snop  }
0x5d: {  	[hbm4b:s3+s2] =	stream.indirect_vreg.scatter [tilespmem:s25], [sflag:$0x1], $0x80, v3, vm0, $0xb8;
	[tilespmem:$0x6100] =	vst v63  }
0x5e: {  	_ = 	snop  }
0x5f: {  	[hbm4b:s7+s2] =	stream.indirect_vreg.scatter [tilespmem:s26], [sflag:$0x1], $0x80, v3, vm1, $0xb8;
	[tilespmem:$0x6100] =	vst v63  }
0x60: {  	v3 =	vld [tilespmem:$0x80];
	_ =	sdelay $0x4  }
0x61: {  	v60 =	vshrl.u32 v3, $0x3  }
0x62: {  	v4 =	vmul.u32 $0x18, v60  }
0x63: {  	v3 =	vand.u32 $0x7, v3  }
0x64: {  	v3 =	vor.u32 v3, v4  }
0x65: {  	v4 =	vperm.xlane v3, v0;
	_ =	sdelay $0x1  }
0x66: {  	v4 =	vadd.s32 v1, v4;
	_ =	sdelay $0x1  }
0x67: {  	v3 =	vperm.xlane v3, v2;
	_ =	sdelay $0x1  }
0x68: {  	v3 =	vadd.s32 v1, v3  }
0x69: {  	[hbm4b:s3+s2] =	stream.indirect_vreg.scatter [tilespmem:s11], [sflag:$0x2], $0x80, v4, vm0, $0xb8;
	[tilespmem:$0x6100] =	vst v63  }
0x6a: {  	_ = 	snop  }
0x6b: {  	[hbm4b:s7+s2] =	stream.indirect_vreg.scatter [tilespmem:s12], [sflag:$0x2], $0x80, v4, vm1, $0xb8;
	[tilespmem:$0x6100] =	vst v63  }
0x6c: {  	_ = 	snop  }
0x6d: {  	[hbm4b:s3+s2] =	stream.indirect_vreg.scatter [tilespmem:s13], [sflag:$0x2], $0x80, v3, vm0, $0xb8;
	[tilespmem:$0x6100] =	vst v63  }
0x6e: {  	_ = 	snop  }
0x6f: {  	[hbm4b:s7+s2] =	stream.indirect_vreg.scatter [tilespmem:s14], [sflag:$0x2], $0x80, v3, vm1, $0xb8;
	[tilespmem:$0x6100] =	vst v63  }
0x70: {  	v3 =	vld [tilespmem:$0x90];
	_ =	sdelay $0x4  }
0x71: {  	v61 =	vshrl.u32 v3, $0x3  }
0x72: {  	v4 =	vmul.u32 $0x18, v61  }
0x73: {  	v3 =	vand.u32 $0x7, v3  }
0x74: {  	v3 =	vor.u32 v3, v4  }
0x75: {  	v4 =	vperm.xlane v3, v0;
	_ =	sdelay $0x1  }
0x76: {  	v4 =	vadd.s32 v1, v4;
	_ =	sdelay $0x1  }
0x77: {  	v3 =	vperm.xlane v3, v2;
	_ =	sdelay $0x1  }
0x78: {  	v3 =	vadd.s32 v1, v3  }
0x79: {  	[hbm4b:s3+s2] =	stream.indirect_vreg.scatter [tilespmem:s15], [sflag:$0x2], $0x80, v4, vm0, $0xb8;
	[tilespmem:$0x6100] =	vst v63  }
0x7a: {  	_ = 	snop  }
0x7b: {  	[hbm4b:s7+s2] =	stream.indirect_vreg.scatter [tilespmem:s16], [sflag:$0x2], $0x80, v4, vm1, $0xb8;
	[tilespmem:$0x6100] =	vst v63  }
0x7c: {  	_ = 	snop  }
0x7d: {  	[hbm4b:s3+s2] =	stream.indirect_vreg.scatter [tilespmem:s17], [sflag:$0x2], $0x80, v3, vm0, $0xb8;
	[tilespmem:$0x6100] =	vst v63  }
0x7e: {  	_ = 	snop  }
0x7f: {  	[hbm4b:s7+s2] =	stream.indirect_vreg.scatter [tilespmem:s18], [sflag:$0x2], $0x80, v3, vm1, $0xb8;
	[tilespmem:$0x6100] =	vst v63  }
0x80: {  	v3 =	vld [tilespmem:$0xA0];
	_ =	sdelay $0x4  }
0x81: {  	v62 =	vshrl.u32 v3, $0x3  }
0x82: {  	v4 =	vmul.u32 $0x18, v62  }
0x83: {  	v3 =	vand.u32 $0x7, v3  }
0x84: {  	v3 =	vor.u32 v3, v4  }
0x85: {  	v4 =	vperm.xlane v3, v0;
	_ =	sdelay $0x1  }
0x86: {  	v4 =	vadd.s32 v1, v4;
	_ =	sdelay $0x1  }
0x87: {  	v3 =	vperm.xlane v3, v2;
	_ =	sdelay $0x1  }
0x88: {  	v3 =	vadd.s32 v1, v3  }
0x89: {  	[hbm4b:s3+s2] =	stream.indirect_vreg.scatter [tilespmem:s19], [sflag:$0x2], $0x80, v4, vm0, $0xb8;
	[tilespmem:$0x6100] =	vst v63  }
0x8a: {  	_ = 	snop  }
0x8b: {  	[hbm4b:s7+s2] =	stream.indirect_vreg.scatter [tilespmem:s20], [sflag:$0x2], $0x80, v4, vm1, $0xb8;
	[tilespmem:$0x6100] =	vst v63  }
0x8c: {  	_ = 	snop  }
0x8d: {  	[hbm4b:s3+s2] =	stream.indirect_vreg.scatter [tilespmem:s21], [sflag:$0x2], $0x80, v3, vm0, $0xb8;
	[tilespmem:$0x6100] =	vst v63  }
0x8e: {  	_ = 	snop  }
0x8f: {  	[hbm4b:s7+s2] =	stream.indirect_vreg.scatter [tilespmem:s22], [sflag:$0x2], $0x80, v3, vm1, $0xb8;
	[tilespmem:$0x6100] =	vst v63  }
0x90: {  	v3 =	vld [tilespmem:$0xB0];
	_ =	sdelay $0x4  }
0x91: {  	v63 =	vshrl.u32 v3, $0x3  }
0x92: {  	v4 =	vmul.u32 $0x18, v63  }
0x93: {  	v3 =	vand.u32 $0x7, v3  }
0x94: {  	v3 =	vor.u32 v3, v4  }
0x95: {  	v4 =	vperm.xlane v3, v0;
	_ =	sdelay $0x1  }
0x96: {  	v4 =	vadd.s32 v1, v4;
	_ =	sdelay $0x1  }
0x97: {  	v3 =	vperm.xlane v3, v2;
	_ =	sdelay $0x1  }
0x98: {  	v3 =	vadd.s32 v1, v3  }
0x99: {  	[hbm4b:s3+s2] =	stream.indirect_vreg.scatter [tilespmem:s23], [sflag:$0x2], $0x80, v4, vm0, $0xb8;
	[tilespmem:$0x6100] =	vst v63  }
0x9a: {  	_ = 	snop  }
0x9b: {  	[hbm4b:s7+s2] =	stream.indirect_vreg.scatter [tilespmem:s24], [sflag:$0x2], $0x80, v4, vm1, $0xb8;
	[tilespmem:$0x6100] =	vst v63  }
0x9c: {  	_ = 	snop  }
0x9d: {  	[hbm4b:s3+s2] =	stream.indirect_vreg.scatter [tilespmem:s25], [sflag:$0x2], $0x80, v3, vm0, $0xb8;
	[tilespmem:$0x6100] =	vst v63  }
0x9e: {  	_ = 	snop  }
0x9f: {  	[hbm4b:s7+s2] =	stream.indirect_vreg.scatter [tilespmem:s26], [sflag:$0x2], $0x80, v3, vm1, $0xb8;
	[tilespmem:$0x6100] =	vst v63  }
0xa0: {  	p0 =	sne.s32 s8, $0x1;
	_ =	swait.ge [sflag:s28], $0x6000  }
.Ltmp0:
0xa1: {  	[sflag:s28] =	ssyncset.done $0x0;
	(pc) =	sbr.rel @p0 .LBB2_1-.Ltmp0, $4  }
0xa2: {  	[sflag:s28] =	ssyncadd.s32 $0xFFFFA000  }
0xa3: {  	_ =	swait.ge [sflag:s29], $0x6000  }
0xa4: {  	[sflag:s29] =	ssyncset.done $0x0  }
0xa5: {  	s8 =	sadd.s32 $0xFFFFFFFF, s8;
	[sflag:s29] =	ssyncadd.s32 $0xFFFFA000  }
0xa6: {  	_ =	sfence.sel $0x180000  }
0xa7: {  	[bflag:$0x0] =	sbarrier.arrive $0xFFFF  }
0xa8: {  	p0 =	sne.s32 s1, $0x0;
	_ =	strace $0x90000047  }
0xa9: {  	s0 =	sadd.s32 @!p0 $0x100000, s0;
	[bflag:$0x2] =	sbarrier.arrive $0xFFFF  }
0xaa: {  	[sflag:s0] =	ssyncadd.tile.s32 @!p0 $0x1;
	_ =	shalt  }
.Lfunc_end2:
_tile_overlayer_lowered:
.L_overlay_start_2:
0xab: {  	(tag) =	ssettag $0x2  }
0xac: {  	s0 =	rddreg [dreg:$0x0];
	s2 =	stileid.u32  }
0xad: {  	s1 =	rddreg [dreg:$0x1];
	p0 =	sne.s32 s2, $0x0  }
0xae: {  	s3 =	rddreg [dreg:$0x2];
	[bflag:$0x3] =	sbarrier.arrive $0xFFFF;
	s2 =	simm.s32 @!p0 $0x1C03  }
0xaf: {  	[timem:s3], [sflag:s2] =	dma.local @!p0 [hbm:s0], s1  }
0xb0: {  	s0 =	simm.s32 @!p0 $0x3  }
0xb1: {  	_ =	swait.ge @!p0 [sflag:s0], s1  }
0xb2: {  	s1 =	ssub.s32 @!p0 $0x0, s1;
	[sflag:s0] =	ssyncset.done @!p0 $0x0  }
0xb3: {  	[sflag:s0] =	ssyncadd.s32 @!p0 s1  }
0xb4: {  	[bflag:$0x3] =	sbarrier.arrive $0xFFFF  }
0xb5: {  	_ =	shalt  }

</sc_bundles>
